<compile_context>
chip_gen: v7x
topology: tpu7x:2x2x1
jax: 0.10.2.dev20260603
libtpu: 0.0.44.dev20260713+nightly
codegen_flags: <defaults>
</compile_context>

<pallas_src>
import functools

import jax
import jax.numpy as jnp
from jax import lax
from jax.experimental import pallas as pl
from jax.experimental.pallas import tpu as pltpu
from jax.experimental.pallas import tpu_sc as plsc

N = 10000
E = 320000
D = 128
H = 128
C = 64

NC = 2
NS = 16
NW = NC * NS
EPW = E // NW
CH = 80
NCH = EPW // CH
RPT = N // NS
DW = 16

_sc_mesh = plsc.VectorSubcoreMesh(core_axis_name="c", subcore_axis_name="s")
_sc_params = pltpu.CompilerParams(use_tc_tiling_on_sc=False)


@functools.partial(
    pl.kernel,
    out_type=jax.ShapeDtypeStruct((NC, N, DW), jnp.float32),
    mesh=_sc_mesh,
    scratch_types=[
        pltpu.VMEM((NCH, CH), jnp.int32),
        pltpu.VMEM((CH, DW), jnp.float32),
        pltpu.VMEM_SHARED((N, DW), jnp.float32),
    ],
    compiler_params=_sc_params,
)
def _sc_degree(dst_hbm, zeros_hbm, ones_hbm, out_hbm, didx, ones, acc):
    cid = lax.axis_index("c")
    sid = lax.axis_index("s")
    pltpu.sync_copy(dst_hbm.at[cid, sid], didx)
    pltpu.sync_copy(ones_hbm, ones)
    pltpu.sync_copy(zeros_hbm.at[pl.ds(sid * RPT, RPT)],
                    acc.at[pl.ds(sid * RPT, RPT)])
    plsc.subcore_barrier()

    def body(j, carry):
        pltpu.sync_copy(ones, acc.at[didx.at[j]], add=True)
        return carry

    lax.fori_loop(0, NCH, body, 0)
    plsc.subcore_barrier()
    pltpu.sync_copy(acc.at[pl.ds(sid * RPT, RPT)],
                    out_hbm.at[cid, pl.ds(sid * RPT, RPT)])


@functools.partial(
    pl.kernel,
    out_type=jax.ShapeDtypeStruct((NC, N, H), jnp.float32),
    mesh=_sc_mesh,
    scratch_types=[
        pltpu.VMEM((NCH, CH), jnp.int32),
        pltpu.VMEM((NCH, CH), jnp.int32),
        pltpu.VMEM((CH, H), jnp.float32),
        pltpu.VMEM_SHARED((N, H), jnp.float32),
        pltpu.SemaphoreType.DMA,
    ],
    compiler_params=_sc_params,
)
def _sc_edge_agg(src_hbm, dst_hbm, hs_hbm, zeros_hbm, out_hbm,
                 sidx, didx, rows, acc, sem):
    cid = lax.axis_index("c")
    sid = lax.axis_index("s")
    pltpu.sync_copy(src_hbm.at[cid, sid], sidx)
    pltpu.sync_copy(dst_hbm.at[cid, sid], didx)
    pltpu.sync_copy(zeros_hbm.at[pl.ds(sid * RPT, RPT)],
                    acc.at[pl.ds(sid * RPT, RPT)])
    plsc.subcore_barrier()

    def body(j, carry):
        pltpu.async_copy(hs_hbm.at[sidx.at[j]], rows, sem).wait()
        pltpu.sync_copy(rows, acc.at[didx.at[j]], add=True)
        return carry

    lax.fori_loop(0, NCH, body, 0)
    plsc.subcore_barrier()
    pltpu.sync_copy(acc.at[pl.ds(sid * RPT, RPT)],
                    out_hbm.at[cid, pl.ds(sid * RPT, RPT)])


_R = 1000


def _dinv(dga, dgb):
    return lax.rsqrt(dga[:, :1] + dgb[:, :1] + 1.0)


def _tc_inmid_body(x, f0t, f0b, c1t, dga, dgb, h0_o, hs1_o):
    h0 = jnp.maximum(x[...] @ f0t[...] + f0b[...], 0.0)
    h0_o[...] = h0
    hs1_o[...] = _dinv(dga[...], dgb[...]) * (h0 @ c1t[...])


def _tc_postmid_body(pa, pb, hs1, dga, dgb, wwt, wb, c2t, h1_o, hs2_o):
    dinv = _dinv(dga[...], dgb[...])
    agg = dinv * (pa[...] + pb[...] + hs1[...])
    h1 = jnp.maximum(agg @ wwt[...] + wb[...], 0.0)
    h1_o[...] = h1
    hs2_o[...] = dinv * (h1 @ c2t[...])


def _tc_postout_body(pa, pb, hs2, dga, dgb, wwt, wb, h0, h1,
                     fot, fob, olt, olb, out_o):
    dinv = _dinv(dga[...], dgb[...])
    agg = dinv * (pa[...] + pb[...] + hs2[...])
    h2 = jnp.maximum(agg @ wwt[...] + wb[...], 0.0)
    jk = jnp.maximum(jnp.maximum(h0[...], h1[...]), h2)
    t = jk @ fot[...] + fob[...]
    out_o[...] = t @ olt[...] + olb[...]


def _row_spec(w):
    return pl.BlockSpec((_R, w), lambda i: (i, 0))


def _whole_spec(r, w):
    return pl.BlockSpec((r, w), lambda i: (0, 0))


def _tc_call(body, in_specs, out_specs, out_shape, args):
    return pl.pallas_call(
        body,
        grid=(N // _R,),
        in_specs=in_specs,
        out_specs=out_specs,
        out_shape=out_shape,
    )(*args)


def kernel(x, edge_index, fc0_w, fc0_b, conv_w1, conv_w2, W_w, W_b,
           fcout_w, fcout_b, outlin_w, outlin_b):
    src = edge_index[0].reshape(NC, NS, NCH, CH)
    dst = edge_index[1].reshape(NC, NS, NCH, CH)
    zeros_h = jnp.zeros((N, H), jnp.float32)
    zeros_d = jnp.zeros((N, DW), jnp.float32)
    ones_d = jnp.ones((CH, DW), jnp.float32)

    degp = _sc_degree(dst, zeros_d, ones_d)
    dga, dgb = degp[0], degp[1]

    f32 = jnp.float32
    h0, hs1 = _tc_call(
        _tc_inmid_body,
        [_row_spec(D), _whole_spec(D, H), _whole_spec(1, H),
         _whole_spec(H, H), _row_spec(DW), _row_spec(DW)],
        [_row_spec(H), _row_spec(H)],
        (jax.ShapeDtypeStruct((N, H), f32), jax.ShapeDtypeStruct((N, H), f32)),
        (x, fc0_w.T, fc0_b.reshape(1, H), conv_w1.T, dga, dgb),
    )

    p1 = _sc_edge_agg(src, dst, hs1, zeros_h)
    h1, hs2 = _tc_call(
        _tc_postmid_body,
        [_row_spec(H), _row_spec(H), _row_spec(H), _row_spec(DW),
         _row_spec(DW), _whole_spec(H, H), _whole_spec(1, H),
         _whole_spec(H, H)],
        [_row_spec(H), _row_spec(H)],
        (jax.ShapeDtypeStruct((N, H), f32), jax.ShapeDtypeStruct((N, H), f32)),
        (p1[0], p1[1], hs1, dga, dgb, W_w.T, W_b.reshape(1, H), conv_w2.T),
    )

    p2 = _sc_edge_agg(src, dst, hs2, zeros_h)
    out = _tc_call(
        _tc_postout_body,
        [_row_spec(H), _row_spec(H), _row_spec(H), _row_spec(DW),
         _row_spec(DW), _whole_spec(H, H), _whole_spec(1, H),
         _row_spec(H), _row_spec(H), _whole_spec(H, H), _whole_spec(1, H),
         _whole_spec(H, C), _whole_spec(1, C)],
        _row_spec(C),
        jax.ShapeDtypeStruct((N, C), f32),
        (p2[0], p2[1], hs2, dga, dgb, W_w.T, W_b.reshape(1, H), h0, h1,
         fcout_w.T, fcout_b.reshape(1, H), outlin_w.T, outlin_b.reshape(1, C)),
    )
    return out

# --- scband reference (transcript-rebuilt; emitter-appended) ---
"""Pipeline reference for scband-indi-gcnwith-jk-1623497638167 (READ-ONLY COPY).

The authoritative reference and input builder live on the scoring server;
editing this copy changes nothing except your own understanding.
"""

import jax, jax.numpy as jnp
import numpy as np

N = 10000
E = 320000
D = 128
H = 128
C = 64


def setup_inputs(seed: int = 0) -> dict:
    key = jax.random.key(seed)
    ks = jax.random.split(key, 12)
    inp = {}
    inp["x"] = jax.random.normal(ks[0], (N, D), dtype=jnp.float32)
    inp["edge_index"] = jax.random.randint(ks[1], (2, E), 0, N, dtype=jnp.int32)
    s = 0.05
    inp["fc0_w"] = jax.random.normal(ks[2], (H, D), dtype=jnp.float32) * s
    inp["fc0_b"] = jnp.zeros((H,), dtype=jnp.float32)
    inp["conv_w1"] = jax.random.normal(ks[3], (H, H), dtype=jnp.float32) * s
    inp["conv_w2"] = jax.random.normal(ks[4], (H, H), dtype=jnp.float32) * s
    inp["W_w"] = jax.random.normal(ks[5], (H, H), dtype=jnp.float32) * s
    inp["W_b"] = jnp.zeros((H,), dtype=jnp.float32)
    inp["fcout_w"] = jax.random.normal(ks[6], (H, H), dtype=jnp.float32) * s
    inp["fcout_b"] = jnp.zeros((H,), dtype=jnp.float32)
    inp["outlin_w"] = jax.random.normal(ks[7], (C, H), dtype=jnp.float32) * s
    inp["outlin_b"] = jnp.zeros((C,), dtype=jnp.float32)
    return inp


def gcn_conv(x, src, dst, norm, Wc, n_nodes):
    # GCNConv(normalize=True, bias=False): linear transform then normalized aggregation
    h = x @ Wc.T
    msg = jnp.take(h, src, axis=0) * norm[:, None]
    out = jax.ops.segment_sum(msg, dst, num_segments=n_nodes)
    return out


def gcn_norm(edge_index, n_nodes):
    # add self loops and compute sym normalization deg^-1/2[src]*deg^-1/2[dst]
    loop = jnp.arange(n_nodes, dtype=edge_index.dtype)
    src = jnp.concatenate([edge_index[0], loop])
    dst = jnp.concatenate([edge_index[1], loop])
    deg = jnp.zeros((n_nodes,), dtype=jnp.float32).at[dst].add(1.0)
    dinv = jnp.where(deg > 0, jax.lax.rsqrt(deg), 0.0)
    norm = dinv[src] * dinv[dst]
    return src, dst, norm


def reference(x, edge_index, fc0_w, fc0_b, conv_w1, conv_w2, W_w, W_b, fcout_w, fcout_b, outlin_w, outlin_b):
    n_nodes = x.shape[0]
    src, dst, norm = gcn_norm(edge_index, n_nodes)
    # input projection (use_bn=False, use_ln=False, eval mode -> no dropout)
    h = x @ fc0_w.T + fc0_b
    h = jax.nn.relu(h)
    layer_outs = [h]
    for Wc in (conv_w1, conv_w2):
        h = gcn_conv(h, src, dst, norm, Wc, n_nodes)
        h = h @ W_w.T + W_b
        h = jax.nn.relu(h)
        layer_outs.append(h)
    # JumpingKnowledge mode='max': elementwise max over layer outputs
    h = jnp.max(jnp.stack(layer_outs, axis=0), axis=0)
    h = h @ fcout_w.T + fcout_b
    out = h @ outlin_w.T + outlin_b
    return out

if __name__ == "__main__":
    import jax
    _d = setup_inputs()
    print(jax.jit(kernel)(*tuple(_d.values())))

</pallas_src>

<mosaic_0001>
#map = affine_map<(d0, d1) -> (0, 0, 0, 0)>
#map1 = affine_map<(d0, d1) -> (0, 0)>
#map2 = affine_map<(d0, d1) -> (0, 0, 0)>
module attributes {stable_mosaic.version = 14 : i64} {
  func.func @_sc_degree(%arg0: i32, %arg1: i32, %arg2: memref<2x16x125x80xi32, #tpu.memory_space<hbm>>, %arg3: memref<10000x16xf32, #tpu.memory_space<hbm>>, %arg4: memref<80x16xf32, #tpu.memory_space<hbm>>, %arg5: memref<2x10000x16xf32, #tpu.memory_space<hbm>>, %arg6: memref<125x80xi32, #tpu.memory_space<vmem>>, %arg7: memref<80x16xf32, #tpu.memory_space<vmem>>, %arg8: memref<10000x16xf32, #tpu.memory_space<vmem_shared>>) attributes {dimension_semantics = [#tpu.dimension_semantics<core_parallel>, #tpu.dimension_semantics<subcore_parallel>], iteration_bounds = array<i64: 2, 16>, scalar_prefetch = 0 : i64, scratch_operands = 3 : i64, tpu.core_type = #tpu.core_type<sc_vector_subcore>, window_params = [{transform_indices = #map}, {transform_indices = #map1}, {transform_indices = #map1}, {transform_indices = #map2}]} {
    "tpu.region"() ({
      %run_scoped3A = tpu.sem_alloc : memref<!tpu.dma_semaphore, #tpu.memory_space<semaphore_mem>>
      %dma_start3A = arith.constant 0 : i32
      %dma_start3A_13 = arith.constant 0 : i32
      %dma_start3A_14 = tpu.memref_slice %arg2[%arg0, %arg1, %dma_start3A, %dma_start3A_13] : memref<2x16x125x80xi32, #tpu.memory_space<hbm>> -> memref<1x1x125x80xi32, #tpu.memory_space<hbm>>
      %dma_start3A_15 = tpu.memref_squeeze %dma_start3A_14 : memref<1x1x125x80xi32, #tpu.memory_space<hbm>> -> memref<125x80xi32, #tpu.memory_space<hbm>>
      %dma_start3A_16 = arith.constant 0 : i32
      %dma_start3A_17 = arith.constant 0 : i32
      %dma_start3A_18 = tpu.memref_slice %arg2[%arg0, %arg1, %dma_start3A_16, %dma_start3A_17] : memref<2x16x125x80xi32, #tpu.memory_space<hbm>> -> memref<1x1x125x80xi32, #tpu.memory_space<hbm>>
      %dma_start3A_19 = tpu.memref_squeeze %dma_start3A_18 : memref<1x1x125x80xi32, #tpu.memory_space<hbm>> -> memref<125x80xi32, #tpu.memory_space<hbm>>
      tpu.enqueue_dma source(%dma_start3A_19 : memref<125x80xi32, #tpu.memory_space<hbm>>) target(%arg6 : memref<125x80xi32, #tpu.memory_space<vmem>>) target_semaphore(%run_scoped3A : memref<!tpu.dma_semaphore, #tpu.memory_space<semaphore_mem>>)
      %dma_wait3A = arith.constant 0 : i32
      %dma_wait3A_20 = arith.constant 0 : i32
      %dma_wait3A_21 = tpu.memref_slice %arg2[%arg0, %arg1, %dma_wait3A, %dma_wait3A_20] : memref<2x16x125x80xi32, #tpu.memory_space<hbm>> -> memref<1x1x125x80xi32, #tpu.memory_space<hbm>>
      %dma_wait3A_22 = tpu.memref_squeeze %dma_wait3A_21 : memref<1x1x125x80xi32, #tpu.memory_space<hbm>> -> memref<125x80xi32, #tpu.memory_space<hbm>>
      %dma_wait3A_23 = arith.constant 0 : i32
      %dma_wait3A_24 = arith.constant 0 : i32
      %dma_wait3A_25 = tpu.memref_slice %arg2[%arg0, %arg1, %dma_wait3A_23, %dma_wait3A_24] : memref<2x16x125x80xi32, #tpu.memory_space<hbm>> -> memref<1x1x125x80xi32, #tpu.memory_space<hbm>>
      %dma_wait3A_26 = tpu.memref_squeeze %dma_wait3A_25 : memref<1x1x125x80xi32, #tpu.memory_space<hbm>> -> memref<125x80xi32, #tpu.memory_space<hbm>>
      tpu.wait_dma2 semaphore(%run_scoped3A : memref<!tpu.dma_semaphore, #tpu.memory_space<semaphore_mem>>) src(%dma_wait3A_26 : memref<125x80xi32, #tpu.memory_space<hbm>>) dst(%arg6 : memref<125x80xi32, #tpu.memory_space<vmem>>)
      tpu.yield
    }) : () -> ()
    "tpu.region"() ({
      %run_scoped3A = tpu.sem_alloc : memref<!tpu.dma_semaphore, #tpu.memory_space<semaphore_mem>>
      tpu.enqueue_dma source(%arg4 : memref<80x16xf32, #tpu.memory_space<hbm>>) target(%arg7 : memref<80x16xf32, #tpu.memory_space<vmem>>) target_semaphore(%run_scoped3A : memref<!tpu.dma_semaphore, #tpu.memory_space<semaphore_mem>>)
      tpu.wait_dma2 semaphore(%run_scoped3A : memref<!tpu.dma_semaphore, #tpu.memory_space<semaphore_mem>>) src(%arg4 : memref<80x16xf32, #tpu.memory_space<hbm>>) dst(%arg7 : memref<80x16xf32, #tpu.memory_space<vmem>>)
      tpu.yield
    }) : () -> ()
    %mul3A = arith.constant 625 : i32
    %mul3A_0 = arith.muli %arg1, %mul3A : i32
    %mul3A_1 = arith.constant 625 : i32
    %mul3A_2 = arith.muli %arg1, %mul3A_1 : i32
    "tpu.region"() ({
      %run_scoped3A = tpu.sem_alloc : memref<!tpu.dma_semaphore, #tpu.memory_space<semaphore_mem>>
      %dma_start3A = arith.constant 0 : i32
      %dma_start3A_13 = tpu.memref_slice %arg8[%mul3A_2, %dma_start3A] : memref<10000x16xf32, #tpu.memory_space<vmem_shared>> -> memref<625x16xf32, #tpu.memory_space<vmem_shared>>
      %dma_start3A_14 = arith.constant 0 : i32
      %dma_start3A_15 = tpu.memref_slice %arg3[%mul3A_0, %dma_start3A_14] : memref<10000x16xf32, #tpu.memory_space<hbm>> -> memref<625x16xf32, #tpu.memory_space<hbm>>
      tpu.enqueue_dma source(%dma_start3A_15 : memref<625x16xf32, #tpu.memory_space<hbm>>) target(%dma_start3A_13 : memref<625x16xf32, #tpu.memory_space<vmem_shared>>) target_semaphore(%run_scoped3A : memref<!tpu.dma_semaphore, #tpu.memory_space<semaphore_mem>>)
      %dma_wait3A = arith.constant 0 : i32
      %dma_wait3A_16 = tpu.memref_slice %arg8[%mul3A_2, %dma_wait3A] : memref<10000x16xf32, #tpu.memory_space<vmem_shared>> -> memref<625x16xf32, #tpu.memory_space<vmem_shared>>
      %dma_wait3A_17 = arith.constant 0 : i32
      %dma_wait3A_18 = tpu.memref_slice %arg3[%mul3A_0, %dma_wait3A_17] : memref<10000x16xf32, #tpu.memory_space<hbm>> -> memref<625x16xf32, #tpu.memory_space<hbm>>
      tpu.wait_dma2 semaphore(%run_scoped3A : memref<!tpu.dma_semaphore, #tpu.memory_space<semaphore_mem>>) src(%dma_wait3A_18 : memref<625x16xf32, #tpu.memory_space<hbm>>) dst(%dma_wait3A_16 : memref<625x16xf32, #tpu.memory_space<vmem_shared>>)
      tpu.yield
    }) : () -> ()
    %barrier3A = arith.constant 0 : index
    tpu.barrier barrier_id(%barrier3A)
    %scan3A = arith.constant 0 : i32
    %scan3A_3 = arith.constant 0 : i32
    %scan3A_4 = arith.constant 125 : i32
    %scan3A_5 = arith.addi %scan3A_3, %scan3A_4 : i32
    %scan3A_6 = arith.constant 1 : i32
    scf.for %scan3A_13 = %scan3A_3 to %scan3A_5 step %scan3A_6  : i32 {
      "tpu.region"() ({
        %run_scoped3A = tpu.sem_alloc : memref<!tpu.dma_semaphore, #tpu.memory_space<semaphore_mem>>
        %dma_start3A = arith.constant 0 : i32
        %dma_start3A_14 = tpu.memref_slice %arg6[%scan3A_13, %dma_start3A] : memref<125x80xi32, #tpu.memory_space<vmem>> -> memref<1x80xi32, #tpu.memory_space<vmem>>
        %dma_start3A_15 = tpu.memref_squeeze %dma_start3A_14 : memref<1x80xi32, #tpu.memory_space<vmem>> -> memref<80xi32, #tpu.memory_space<vmem>>
        %dma_start3A_16 = arith.constant 0 : i32
        %dma_start3A_17 = arith.constant 0 : i32
        %dma_start3A_18 = tpu.memref_slice %arg8[%dma_start3A_16, %dma_start3A_17] : memref<10000x16xf32, #tpu.memory_space<vmem_shared>> -> memref<10000x16xf32, #tpu.memory_space<vmem_shared>>
        tpu.enqueue_indirect_dma source(%arg7 : memref<80x16xf32, #tpu.memory_space<vmem>>) target(%dma_start3A_18 : memref<10000x16xf32, #tpu.memory_space<vmem_shared>>) offsets(%dma_start3A_15 : memref<80xi32, #tpu.memory_space<vmem>>) semaphore(%run_scoped3A : memref<!tpu.dma_semaphore, #tpu.memory_space<semaphore_mem>>) {add = true}
        %dma_wait3A = arith.constant 0 : i32
        %dma_wait3A_19 = tpu.memref_slice %arg6[%scan3A_13, %dma_wait3A] : memref<125x80xi32, #tpu.memory_space<vmem>> -> memref<1x80xi32, #tpu.memory_space<vmem>>
        %dma_wait3A_20 = tpu.memref_squeeze %dma_wait3A_19 : memref<1x80xi32, #tpu.memory_space<vmem>> -> memref<80xi32, #tpu.memory_space<vmem>>
        %dma_wait3A_21 = arith.constant 0 : i32
        %dma_wait3A_22 = arith.constant 0 : i32
        %dma_wait3A_23 = tpu.memref_slice %arg8[%dma_wait3A_21, %dma_wait3A_22] : memref<10000x16xf32, #tpu.memory_space<vmem_shared>> -> memref<10000x16xf32, #tpu.memory_space<vmem_shared>>
        tpu.wait_indirect_dma semaphore(%run_scoped3A : memref<!tpu.dma_semaphore, #tpu.memory_space<semaphore_mem>>) src(%arg7 : memref<80x16xf32, #tpu.memory_space<vmem>>) dst(%dma_wait3A_23 : memref<10000x16xf32, #tpu.memory_space<vmem_shared>>)
        tpu.yield
      }) : () -> ()
    }
    %scan3A_7 = arith.constant 125 : i32
    %barrier3A_8 = arith.constant 0 : index
    tpu.barrier barrier_id(%barrier3A_8)
    %mul3A_9 = arith.constant 625 : i32
    %mul3A_10 = arith.muli %arg1, %mul3A_9 : i32
    %mul3A_11 = arith.constant 625 : i32
    %mul3A_12 = arith.muli %arg1, %mul3A_11 : i32
    "tpu.region"() ({
      %run_scoped3A = tpu.sem_alloc : memref<!tpu.dma_semaphore, #tpu.memory_space<semaphore_mem>>
      %dma_start3A = arith.constant 0 : i32
      %dma_start3A_13 = tpu.memref_slice %arg5[%arg0, %mul3A_12, %dma_start3A] : memref<2x10000x16xf32, #tpu.memory_space<hbm>> -> memref<1x625x16xf32, #tpu.memory_space<hbm>>
      %dma_start3A_14 = tpu.memref_squeeze %dma_start3A_13 : memref<1x625x16xf32, #tpu.memory_space<hbm>> -> memref<625x16xf32, #tpu.memory_space<hbm>>
      %dma_start3A_15 = arith.constant 0 : i32
      %dma_start3A_16 = tpu.memref_slice %arg8[%mul3A_10, %dma_start3A_15] : memref<10000x16xf32, #tpu.memory_space<vmem_shared>> -> memref<625x16xf32, #tpu.memory_space<vmem_shared>>
      tpu.enqueue_dma source(%dma_start3A_16 : memref<625x16xf32, #tpu.memory_space<vmem_shared>>) target(%dma_start3A_14 : memref<625x16xf32, #tpu.memory_space<hbm>>) target_semaphore(%run_scoped3A : memref<!tpu.dma_semaphore, #tpu.memory_space<semaphore_mem>>)
      %dma_wait3A = arith.constant 0 : i32
      %dma_wait3A_17 = tpu.memref_slice %arg5[%arg0, %mul3A_12, %dma_wait3A] : memref<2x10000x16xf32, #tpu.memory_space<hbm>> -> memref<1x625x16xf32, #tpu.memory_space<hbm>>
      %dma_wait3A_18 = tpu.memref_squeeze %dma_wait3A_17 : memref<1x625x16xf32, #tpu.memory_space<hbm>> -> memref<625x16xf32, #tpu.memory_space<hbm>>
      %dma_wait3A_19 = arith.constant 0 : i32
      %dma_wait3A_20 = tpu.memref_slice %arg8[%mul3A_10, %dma_wait3A_19] : memref<10000x16xf32, #tpu.memory_space<vmem_shared>> -> memref<625x16xf32, #tpu.memory_space<vmem_shared>>
      tpu.wait_dma2 semaphore(%run_scoped3A : memref<!tpu.dma_semaphore, #tpu.memory_space<semaphore_mem>>) src(%dma_wait3A_20 : memref<625x16xf32, #tpu.memory_space<vmem_shared>>) dst(%dma_wait3A_18 : memref<625x16xf32, #tpu.memory_space<hbm>>)
      tpu.yield
    }) : () -> ()
    return
  }
}

#map = affine_map<(d0, d1) -> (0, 0, 0, 0)>
#map1 = affine_map<(d0, d1) -> (0, 0)>
#map2 = affine_map<(d0, d1) -> (0, 0, 0)>
module attributes {stable_mosaic.version = 14 : i64} {
  func.func @_sc_edge_agg(%arg0: i32, %arg1: i32, %arg2: memref<2x16x125x80xi32, #tpu.memory_space<hbm>>, %arg3: memref<2x16x125x80xi32, #tpu.memory_space<hbm>>, %arg4: memref<10000x128xf32, #tpu.memory_space<hbm>>, %arg5: memref<10000x128xf32, #tpu.memory_space<hbm>>, %arg6: memref<2x10000x128xf32, #tpu.memory_space<hbm>>, %arg7: memref<125x80xi32, #tpu.memory_space<vmem>>, %arg8: memref<125x80xi32, #tpu.memory_space<vmem>>, %arg9: memref<80x128xf32, #tpu.memory_space<vmem>>, %arg10: memref<10000x128xf32, #tpu.memory_space<vmem_shared>>, %arg11: memref<!tpu.dma_semaphore, #tpu.memory_space<semaphore_mem>>) attributes {dimension_semantics = [#tpu.dimension_semantics<core_parallel>, #tpu.dimension_semantics<subcore_parallel>], iteration_bounds = array<i64: 2, 16>, scalar_prefetch = 0 : i64, scratch_operands = 5 : i64, tpu.core_type = #tpu.core_type<sc_vector_subcore>, window_params = [{transform_indices = #map}, {transform_indices = #map}, {transform_indices = #map1}, {transform_indices = #map1}, {transform_indices = #map2}]} {
    "tpu.region"() ({
      %run_scoped3A = tpu.sem_alloc : memref<!tpu.dma_semaphore, #tpu.memory_space<semaphore_mem>>
      %dma_start3A = arith.constant 0 : i32
      %dma_start3A_13 = arith.constant 0 : i32
      %dma_start3A_14 = tpu.memref_slice %arg2[%arg0, %arg1, %dma_start3A, %dma_start3A_13] : memref<2x16x125x80xi32, #tpu.memory_space<hbm>> -> memref<1x1x125x80xi32, #tpu.memory_space<hbm>>
      %dma_start3A_15 = tpu.memref_squeeze %dma_start3A_14 : memref<1x1x125x80xi32, #tpu.memory_space<hbm>> -> memref<125x80xi32, #tpu.memory_space<hbm>>
      %dma_start3A_16 = arith.constant 0 : i32
      %dma_start3A_17 = arith.constant 0 : i32
      %dma_start3A_18 = tpu.memref_slice %arg2[%arg0, %arg1, %dma_start3A_16, %dma_start3A_17] : memref<2x16x125x80xi32, #tpu.memory_space<hbm>> -> memref<1x1x125x80xi32, #tpu.memory_space<hbm>>
      %dma_start3A_19 = tpu.memref_squeeze %dma_start3A_18 : memref<1x1x125x80xi32, #tpu.memory_space<hbm>> -> memref<125x80xi32, #tpu.memory_space<hbm>>
      tpu.enqueue_dma source(%dma_start3A_19 : memref<125x80xi32, #tpu.memory_space<hbm>>) target(%arg7 : memref<125x80xi32, #tpu.memory_space<vmem>>) target_semaphore(%run_scoped3A : memref<!tpu.dma_semaphore, #tpu.memory_space<semaphore_mem>>)
      %dma_wait3A = arith.constant 0 : i32
      %dma_wait3A_20 = arith.constant 0 : i32
      %dma_wait3A_21 = tpu.memref_slice %arg2[%arg0, %arg1, %dma_wait3A, %dma_wait3A_20] : memref<2x16x125x80xi32, #tpu.memory_space<hbm>> -> memref<1x1x125x80xi32, #tpu.memory_space<hbm>>
      %dma_wait3A_22 = tpu.memref_squeeze %dma_wait3A_21 : memref<1x1x125x80xi32, #tpu.memory_space<hbm>> -> memref<125x80xi32, #tpu.memory_space<hbm>>
      %dma_wait3A_23 = arith.constant 0 : i32
      %dma_wait3A_24 = arith.constant 0 : i32
      %dma_wait3A_25 = tpu.memref_slice %arg2[%arg0, %arg1, %dma_wait3A_23, %dma_wait3A_24] : memref<2x16x125x80xi32, #tpu.memory_space<hbm>> -> memref<1x1x125x80xi32, #tpu.memory_space<hbm>>
      %dma_wait3A_26 = tpu.memref_squeeze %dma_wait3A_25 : memref<1x1x125x80xi32, #tpu.memory_space<hbm>> -> memref<125x80xi32, #tpu.memory_space<hbm>>
      tpu.wait_dma2 semaphore(%run_scoped3A : memref<!tpu.dma_semaphore, #tpu.memory_space<semaphore_mem>>) src(%dma_wait3A_26 : memref<125x80xi32, #tpu.memory_space<hbm>>) dst(%arg7 : memref<125x80xi32, #tpu.memory_space<vmem>>)
      tpu.yield
    }) : () -> ()
    "tpu.region"() ({
      %run_scoped3A = tpu.sem_alloc : memref<!tpu.dma_semaphore, #tpu.memory_space<semaphore_mem>>
      %dma_start3A = arith.constant 0 : i32
      %dma_start3A_13 = arith.constant 0 : i32
      %dma_start3A_14 = tpu.memref_slice %arg3[%arg0, %arg1, %dma_start3A, %dma_start3A_13] : memref<2x16x125x80xi32, #tpu.memory_space<hbm>> -> memref<1x1x125x80xi32, #tpu.memory_space<hbm>>
      %dma_start3A_15 = tpu.memref_squeeze %dma_start3A_14 : memref<1x1x125x80xi32, #tpu.memory_space<hbm>> -> memref<125x80xi32, #tpu.memory_space<hbm>>
      %dma_start3A_16 = arith.constant 0 : i32
      %dma_start3A_17 = arith.constant 0 : i32
      %dma_start3A_18 = tpu.memref_slice %arg3[%arg0, %arg1, %dma_start3A_16, %dma_start3A_17] : memref<2x16x125x80xi32, #tpu.memory_space<hbm>> -> memref<1x1x125x80xi32, #tpu.memory_space<hbm>>
      %dma_start3A_19 = tpu.memref_squeeze %dma_start3A_18 : memref<1x1x125x80xi32, #tpu.memory_space<hbm>> -> memref<125x80xi32, #tpu.memory_space<hbm>>
      tpu.enqueue_dma source(%dma_start3A_19 : memref<125x80xi32, #tpu.memory_space<hbm>>) target(%arg8 : memref<125x80xi32, #tpu.memory_space<vmem>>) target_semaphore(%run_scoped3A : memref<!tpu.dma_semaphore, #tpu.memory_space<semaphore_mem>>)
      %dma_wait3A = arith.constant 0 : i32
      %dma_wait3A_20 = arith.constant 0 : i32
      %dma_wait3A_21 = tpu.memref_slice %arg3[%arg0, %arg1, %dma_wait3A, %dma_wait3A_20] : memref<2x16x125x80xi32, #tpu.memory_space<hbm>> -> memref<1x1x125x80xi32, #tpu.memory_space<hbm>>
      %dma_wait3A_22 = tpu.memref_squeeze %dma_wait3A_21 : memref<1x1x125x80xi32, #tpu.memory_space<hbm>> -> memref<125x80xi32, #tpu.memory_space<hbm>>
      %dma_wait3A_23 = arith.constant 0 : i32
      %dma_wait3A_24 = arith.constant 0 : i32
      %dma_wait3A_25 = tpu.memref_slice %arg3[%arg0, %arg1, %dma_wait3A_23, %dma_wait3A_24] : memref<2x16x125x80xi32, #tpu.memory_space<hbm>> -> memref<1x1x125x80xi32, #tpu.memory_space<hbm>>
      %dma_wait3A_26 = tpu.memref_squeeze %dma_wait3A_25 : memref<1x1x125x80xi32, #tpu.memory_space<hbm>> -> memref<125x80xi32, #tpu.memory_space<hbm>>
      tpu.wait_dma2 semaphore(%run_scoped3A : memref<!tpu.dma_semaphore, #tpu.memory_space<semaphore_mem>>) src(%dma_wait3A_26 : memref<125x80xi32, #tpu.memory_space<hbm>>) dst(%arg8 : memref<125x80xi32, #tpu.memory_space<vmem>>)
      tpu.yield
    }) : () -> ()
    %mul3A = arith.constant 625 : i32
    %mul3A_0 = arith.muli %arg1, %mul3A : i32
    %mul3A_1 = arith.constant 625 : i32
    %mul3A_2 = arith.muli %arg1, %mul3A_1 : i32
    "tpu.region"() ({
      %run_scoped3A = tpu.sem_alloc : memref<!tpu.dma_semaphore, #tpu.memory_space<semaphore_mem>>
      %dma_start3A = arith.constant 0 : i32
      %dma_start3A_13 = tpu.memref_slice %arg10[%mul3A_2, %dma_start3A] : memref<10000x128xf32, #tpu.memory_space<vmem_shared>> -> memref<625x128xf32, #tpu.memory_space<vmem_shared>>
      %dma_start3A_14 = arith.constant 0 : i32
      %dma_start3A_15 = tpu.memref_slice %arg5[%mul3A_0, %dma_start3A_14] : memref<10000x128xf32, #tpu.memory_space<hbm>> -> memref<625x128xf32, #tpu.memory_space<hbm>>
      tpu.enqueue_dma source(%dma_start3A_15 : memref<625x128xf32, #tpu.memory_space<hbm>>) target(%dma_start3A_13 : memref<625x128xf32, #tpu.memory_space<vmem_shared>>) target_semaphore(%run_scoped3A : memref<!tpu.dma_semaphore, #tpu.memory_space<semaphore_mem>>)
      %dma_wait3A = arith.constant 0 : i32
      %dma_wait3A_16 = tpu.memref_slice %arg10[%mul3A_2, %dma_wait3A] : memref<10000x128xf32, #tpu.memory_space<vmem_shared>> -> memref<625x128xf32, #tpu.memory_space<vmem_shared>>
      %dma_wait3A_17 = arith.constant 0 : i32
      %dma_wait3A_18 = tpu.memref_slice %arg5[%mul3A_0, %dma_wait3A_17] : memref<10000x128xf32, #tpu.memory_space<hbm>> -> memref<625x128xf32, #tpu.memory_space<hbm>>
      tpu.wait_dma2 semaphore(%run_scoped3A : memref<!tpu.dma_semaphore, #tpu.memory_space<semaphore_mem>>) src(%dma_wait3A_18 : memref<625x128xf32, #tpu.memory_space<hbm>>) dst(%dma_wait3A_16 : memref<625x128xf32, #tpu.memory_space<vmem_shared>>)
      tpu.yield
    }) : () -> ()
    %barrier3A = arith.constant 0 : index
    tpu.barrier barrier_id(%barrier3A)
    %scan3A = arith.constant 0 : i32
    %scan3A_3 = arith.constant 0 : i32
    %scan3A_4 = arith.constant 125 : i32
    %scan3A_5 = arith.addi %scan3A_3, %scan3A_4 : i32
    %scan3A_6 = arith.constant 1 : i32
    scf.for %scan3A_13 = %scan3A_3 to %scan3A_5 step %scan3A_6  : i32 {
      %dma_start3A = arith.constant 0 : i32
      %dma_start3A_14 = tpu.memref_slice %arg7[%scan3A_13, %dma_start3A] : memref<125x80xi32, #tpu.memory_space<vmem>> -> memref<1x80xi32, #tpu.memory_space<vmem>>
      %dma_start3A_15 = tpu.memref_squeeze %dma_start3A_14 : memref<1x80xi32, #tpu.memory_space<vmem>> -> memref<80xi32, #tpu.memory_space<vmem>>
      %dma_start3A_16 = arith.constant 0 : i32
      %dma_start3A_17 = arith.constant 0 : i32
      %dma_start3A_18 = tpu.memref_slice %arg4[%dma_start3A_16, %dma_start3A_17] : memref<10000x128xf32, #tpu.memory_space<hbm>> -> memref<10000x128xf32, #tpu.memory_space<hbm>>
      tpu.enqueue_indirect_dma source(%dma_start3A_18 : memref<10000x128xf32, #tpu.memory_space<hbm>>) target(%arg9 : memref<80x128xf32, #tpu.memory_space<vmem>>) offsets(%dma_start3A_15 : memref<80xi32, #tpu.memory_space<vmem>>) semaphore(%arg11 : memref<!tpu.dma_semaphore, #tpu.memory_space<semaphore_mem>>)
      %dma_wait3A = arith.constant 0 : i32
      %dma_wait3A_19 = tpu.memref_slice %arg7[%scan3A_13, %dma_wait3A] : memref<125x80xi32, #tpu.memory_space<vmem>> -> memref<1x80xi32, #tpu.memory_space<vmem>>
      %dma_wait3A_20 = tpu.memref_squeeze %dma_wait3A_19 : memref<1x80xi32, #tpu.memory_space<vmem>> -> memref<80xi32, #tpu.memory_space<vmem>>
      %dma_wait3A_21 = arith.constant 0 : i32
      %dma_wait3A_22 = arith.constant 0 : i32
      %dma_wait3A_23 = tpu.memref_slice %arg4[%dma_wait3A_21, %dma_wait3A_22] : memref<10000x128xf32, #tpu.memory_space<hbm>> -> memref<10000x128xf32, #tpu.memory_space<hbm>>
      tpu.wait_indirect_dma semaphore(%arg11 : memref<!tpu.dma_semaphore, #tpu.memory_space<semaphore_mem>>) src(%dma_wait3A_23 : memref<10000x128xf32, #tpu.memory_space<hbm>>) dst(%arg9 : memref<80x128xf32, #tpu.memory_space<vmem>>)
      "tpu.region"() ({
        %run_scoped3A = tpu.sem_alloc : memref<!tpu.dma_semaphore, #tpu.memory_space<semaphore_mem>>
        %dma_start3A_24 = arith.constant 0 : i32
        %dma_start3A_25 = tpu.memref_slice %arg8[%scan3A_13, %dma_start3A_24] : memref<125x80xi32, #tpu.memory_space<vmem>> -> memref<1x80xi32, #tpu.memory_space<vmem>>
        %dma_start3A_26 = tpu.memref_squeeze %dma_start3A_25 : memref<1x80xi32, #tpu.memory_space<vmem>> -> memref<80xi32, #tpu.memory_space<vmem>>
        %dma_start3A_27 = arith.constant 0 : i32
        %dma_start3A_28 = arith.constant 0 : i32
        %dma_start3A_29 = tpu.memref_slice %arg10[%dma_start3A_27, %dma_start3A_28] : memref<10000x128xf32, #tpu.memory_space<vmem_shared>> -> memref<10000x128xf32, #tpu.memory_space<vmem_shared>>
        tpu.enqueue_indirect_dma source(%arg9 : memref<80x128xf32, #tpu.memory_space<vmem>>) target(%dma_start3A_29 : memref<10000x128xf32, #tpu.memory_space<vmem_shared>>) offsets(%dma_start3A_26 : memref<80xi32, #tpu.memory_space<vmem>>) semaphore(%run_scoped3A : memref<!tpu.dma_semaphore, #tpu.memory_space<semaphore_mem>>) {add = true}
        %dma_wait3A_30 = arith.constant 0 : i32
        %dma_wait3A_31 = tpu.memref_slice %arg8[%scan3A_13, %dma_wait3A_30] : memref<125x80xi32, #tpu.memory_space<vmem>> -> memref<1x80xi32, #tpu.memory_space<vmem>>
        %dma_wait3A_32 = tpu.memref_squeeze %dma_wait3A_31 : memref<1x80xi32, #tpu.memory_space<vmem>> -> memref<80xi32, #tpu.memory_space<vmem>>
        %dma_wait3A_33 = arith.constant 0 : i32
        %dma_wait3A_34 = arith.constant 0 : i32
        %dma_wait3A_35 = tpu.memref_slice %arg10[%dma_wait3A_33, %dma_wait3A_34] : memref<10000x128xf32, #tpu.memory_space<vmem_shared>> -> memref<10000x128xf32, #tpu.memory_space<vmem_shared>>
        tpu.wait_indirect_dma semaphore(%run_scoped3A : memref<!tpu.dma_semaphore, #tpu.memory_space<semaphore_mem>>) src(%arg9 : memref<80x128xf32, #tpu.memory_space<vmem>>) dst(%dma_wait3A_35 : memref<10000x128xf32, #tpu.memory_space<vmem_shared>>)
        tpu.yield
      }) : () -> ()
    }
    %scan3A_7 = arith.constant 125 : i32
    %barrier3A_8 = arith.constant 0 : index
    tpu.barrier barrier_id(%barrier3A_8)
    %mul3A_9 = arith.constant 625 : i32
    %mul3A_10 = arith.muli %arg1, %mul3A_9 : i32
    %mul3A_11 = arith.constant 625 : i32
    %mul3A_12 = arith.muli %arg1, %mul3A_11 : i32
    "tpu.region"() ({
      %run_scoped3A = tpu.sem_alloc : memref<!tpu.dma_semaphore, #tpu.memory_space<semaphore_mem>>
      %dma_start3A = arith.constant 0 : i32
      %dma_start3A_13 = tpu.memref_slice %arg6[%arg0, %mul3A_12, %dma_start3A] : memref<2x10000x128xf32, #tpu.memory_space<hbm>> -> memref<1x625x128xf32, #tpu.memory_space<hbm>>
      %dma_start3A_14 = tpu.memref_squeeze %dma_start3A_13 : memref<1x625x128xf32, #tpu.memory_space<hbm>> -> memref<625x128xf32, #tpu.memory_space<hbm>>
      %dma_start3A_15 = arith.constant 0 : i32
      %dma_start3A_16 = tpu.memref_slice %arg10[%mul3A_10, %dma_start3A_15] : memref<10000x128xf32, #tpu.memory_space<vmem_shared>> -> memref<625x128xf32, #tpu.memory_space<vmem_shared>>
      tpu.enqueue_dma source(%dma_start3A_16 : memref<625x128xf32, #tpu.memory_space<vmem_shared>>) target(%dma_start3A_14 : memref<625x128xf32, #tpu.memory_space<hbm>>) target_semaphore(%run_scoped3A : memref<!tpu.dma_semaphore, #tpu.memory_space<semaphore_mem>>)
      %dma_wait3A = arith.constant 0 : i32
      %dma_wait3A_17 = tpu.memref_slice %arg6[%arg0, %mul3A_12, %dma_wait3A] : memref<2x10000x128xf32, #tpu.memory_space<hbm>> -> memref<1x625x128xf32, #tpu.memory_space<hbm>>
      %dma_wait3A_18 = tpu.memref_squeeze %dma_wait3A_17 : memref<1x625x128xf32, #tpu.memory_space<hbm>> -> memref<625x128xf32, #tpu.memory_space<hbm>>
      %dma_wait3A_19 = arith.constant 0 : i32
      %dma_wait3A_20 = tpu.memref_slice %arg10[%mul3A_10, %dma_wait3A_19] : memref<10000x128xf32, #tpu.memory_space<vmem_shared>> -> memref<625x128xf32, #tpu.memory_space<vmem_shared>>
      tpu.wait_dma2 semaphore(%run_scoped3A : memref<!tpu.dma_semaphore, #tpu.memory_space<semaphore_mem>>) src(%dma_wait3A_20 : memref<625x128xf32, #tpu.memory_space<vmem_shared>>) dst(%dma_wait3A_18 : memref<625x128xf32, #tpu.memory_space<hbm>>)
      tpu.yield
    }) : () -> ()
    return
  }
}

#map = affine_map<(d0, d1) -> (0, 0, 0, 0)>
#map1 = affine_map<(d0, d1) -> (0, 0)>
#map2 = affine_map<(d0, d1) -> (0, 0, 0)>
module attributes {stable_mosaic.version = 14 : i64} {
  func.func @_sc_edge_agg(%arg0: i32, %arg1: i32, %arg2: memref<2x16x125x80xi32, #tpu.memory_space<hbm>>, %arg3: memref<2x16x125x80xi32, #tpu.memory_space<hbm>>, %arg4: memref<10000x128xf32, #tpu.memory_space<hbm>>, %arg5: memref<10000x128xf32, #tpu.memory_space<hbm>>, %arg6: memref<2x10000x128xf32, #tpu.memory_space<hbm>>, %arg7: memref<125x80xi32, #tpu.memory_space<vmem>>, %arg8: memref<125x80xi32, #tpu.memory_space<vmem>>, %arg9: memref<80x128xf32, #tpu.memory_space<vmem>>, %arg10: memref<10000x128xf32, #tpu.memory_space<vmem_shared>>, %arg11: memref<!tpu.dma_semaphore, #tpu.memory_space<semaphore_mem>>) attributes {dimension_semantics = [#tpu.dimension_semantics<core_parallel>, #tpu.dimension_semantics<subcore_parallel>], iteration_bounds = array<i64: 2, 16>, scalar_prefetch = 0 : i64, scratch_operands = 5 : i64, tpu.core_type = #tpu.core_type<sc_vector_subcore>, window_params = [{transform_indices = #map}, {transform_indices = #map}, {transform_indices = #map1}, {transform_indices = #map1}, {transform_indices = #map2}]} {
    "tpu.region"() ({
      %run_scoped3A = tpu.sem_alloc : memref<!tpu.dma_semaphore, #tpu.memory_space<semaphore_mem>>
      %dma_start3A = arith.constant 0 : i32
      %dma_start3A_13 = arith.constant 0 : i32
      %dma_start3A_14 = tpu.memref_slice %arg2[%arg0, %arg1, %dma_start3A, %dma_start3A_13] : memref<2x16x125x80xi32, #tpu.memory_space<hbm>> -> memref<1x1x125x80xi32, #tpu.memory_space<hbm>>
      %dma_start3A_15 = tpu.memref_squeeze %dma_start3A_14 : memref<1x1x125x80xi32, #tpu.memory_space<hbm>> -> memref<125x80xi32, #tpu.memory_space<hbm>>
      %dma_start3A_16 = arith.constant 0 : i32
      %dma_start3A_17 = arith.constant 0 : i32
      %dma_start3A_18 = tpu.memref_slice %arg2[%arg0, %arg1, %dma_start3A_16, %dma_start3A_17] : memref<2x16x125x80xi32, #tpu.memory_space<hbm>> -> memref<1x1x125x80xi32, #tpu.memory_space<hbm>>
      %dma_start3A_19 = tpu.memref_squeeze %dma_start3A_18 : memref<1x1x125x80xi32, #tpu.memory_space<hbm>> -> memref<125x80xi32, #tpu.memory_space<hbm>>
      tpu.enqueue_dma source(%dma_start3A_19 : memref<125x80xi32, #tpu.memory_space<hbm>>) target(%arg7 : memref<125x80xi32, #tpu.memory_space<vmem>>) target_semaphore(%run_scoped3A : memref<!tpu.dma_semaphore, #tpu.memory_space<semaphore_mem>>)
      %dma_wait3A = arith.constant 0 : i32
      %dma_wait3A_20 = arith.constant 0 : i32
      %dma_wait3A_21 = tpu.memref_slice %arg2[%arg0, %arg1, %dma_wait3A, %dma_wait3A_20] : memref<2x16x125x80xi32, #tpu.memory_space<hbm>> -> memref<1x1x125x80xi32, #tpu.memory_space<hbm>>
      %dma_wait3A_22 = tpu.memref_squeeze %dma_wait3A_21 : memref<1x1x125x80xi32, #tpu.memory_space<hbm>> -> memref<125x80xi32, #tpu.memory_space<hbm>>
      %dma_wait3A_23 = arith.constant 0 : i32
      %dma_wait3A_24 = arith.constant 0 : i32
      %dma_wait3A_25 = tpu.memref_slice %arg2[%arg0, %arg1, %dma_wait3A_23, %dma_wait3A_24] : memref<2x16x125x80xi32, #tpu.memory_space<hbm>> -> memref<1x1x125x80xi32, #tpu.memory_space<hbm>>
      %dma_wait3A_26 = tpu.memref_squeeze %dma_wait3A_25 : memref<1x1x125x80xi32, #tpu.memory_space<hbm>> -> memref<125x80xi32, #tpu.memory_space<hbm>>
      tpu.wait_dma2 semaphore(%run_scoped3A : memref<!tpu.dma_semaphore, #tpu.memory_space<semaphore_mem>>) src(%dma_wait3A_26 : memref<125x80xi32, #tpu.memory_space<hbm>>) dst(%arg7 : memref<125x80xi32, #tpu.memory_space<vmem>>)
      tpu.yield
    }) : () -> ()
    "tpu.region"() ({
      %run_scoped3A = tpu.sem_alloc : memref<!tpu.dma_semaphore, #tpu.memory_space<semaphore_mem>>
      %dma_start3A = arith.constant 0 : i32
      %dma_start3A_13 = arith.constant 0 : i32
      %dma_start3A_14 = tpu.memref_slice %arg3[%arg0, %arg1, %dma_start3A, %dma_start3A_13] : memref<2x16x125x80xi32, #tpu.memory_space<hbm>> -> memref<1x1x125x80xi32, #tpu.memory_space<hbm>>
      %dma_start3A_15 = tpu.memref_squeeze %dma_start3A_14 : memref<1x1x125x80xi32, #tpu.memory_space<hbm>> -> memref<125x80xi32, #tpu.memory_space<hbm>>
      %dma_start3A_16 = arith.constant 0 : i32
      %dma_start3A_17 = arith.constant 0 : i32
      %dma_start3A_18 = tpu.memref_slice %arg3[%arg0, %arg1, %dma_start3A_16, %dma_start3A_17] : memref<2x16x125x80xi32, #tpu.memory_space<hbm>> -> memref<1x1x125x80xi32, #tpu.memory_space<hbm>>
      %dma_start3A_19 = tpu.memref_squeeze %dma_start3A_18 : memref<1x1x125x80xi32, #tpu.memory_space<hbm>> -> memref<125x80xi32, #tpu.memory_space<hbm>>
      tpu.enqueue_dma source(%dma_start3A_19 : memref<125x80xi32, #tpu.memory_space<hbm>>) target(%arg8 : memref<125x80xi32, #tpu.memory_space<vmem>>) target_semaphore(%run_scoped3A : memref<!tpu.dma_semaphore, #tpu.memory_space<semaphore_mem>>)
      %dma_wait3A = arith.constant 0 : i32
      %dma_wait3A_20 = arith.constant 0 : i32
      %dma_wait3A_21 = tpu.memref_slice %arg3[%arg0, %arg1, %dma_wait3A, %dma_wait3A_20] : memref<2x16x125x80xi32, #tpu.memory_space<hbm>> -> memref<1x1x125x80xi32, #tpu.memory_space<hbm>>
      %dma_wait3A_22 = tpu.memref_squeeze %dma_wait3A_21 : memref<1x1x125x80xi32, #tpu.memory_space<hbm>> -> memref<125x80xi32, #tpu.memory_space<hbm>>
      %dma_wait3A_23 = arith.constant 0 : i32
      %dma_wait3A_24 = arith.constant 0 : i32
      %dma_wait3A_25 = tpu.memref_slice %arg3[%arg0, %arg1, %dma_wait3A_23, %dma_wait3A_24] : memref<2x16x125x80xi32, #tpu.memory_space<hbm>> -> memref<1x1x125x80xi32, #tpu.memory_space<hbm>>
      %dma_wait3A_26 = tpu.memref_squeeze %dma_wait3A_25 : memref<1x1x125x80xi32, #tpu.memory_space<hbm>> -> memref<125x80xi32, #tpu.memory_space<hbm>>
      tpu.wait_dma2 semaphore(%run_scoped3A : memref<!tpu.dma_semaphore, #tpu.memory_space<semaphore_mem>>) src(%dma_wait3A_26 : memref<125x80xi32, #tpu.memory_space<hbm>>) dst(%arg8 : memref<125x80xi32, #tpu.memory_space<vmem>>)
      tpu.yield
    }) : () -> ()
    %mul3A = arith.constant 625 : i32
    %mul3A_0 = arith.muli %arg1, %mul3A : i32
    %mul3A_1 = arith.constant 625 : i32
    %mul3A_2 = arith.muli %arg1, %mul3A_1 : i32
    "tpu.region"() ({
      %run_scoped3A = tpu.sem_alloc : memref<!tpu.dma_semaphore, #tpu.memory_space<semaphore_mem>>
      %dma_start3A = arith.constant 0 : i32
      %dma_start3A_13 = tpu.memref_slice %arg10[%mul3A_2, %dma_start3A] : memref<10000x128xf32, #tpu.memory_space<vmem_shared>> -> memref<625x128xf32, #tpu.memory_space<vmem_shared>>
      %dma_start3A_14 = arith.constant 0 : i32
      %dma_start3A_15 = tpu.memref_slice %arg5[%mul3A_0, %dma_start3A_14] : memref<10000x128xf32, #tpu.memory_space<hbm>> -> memref<625x128xf32, #tpu.memory_space<hbm>>
      tpu.enqueue_dma source(%dma_start3A_15 : memref<625x128xf32, #tpu.memory_space<hbm>>) target(%dma_start3A_13 : memref<625x128xf32, #tpu.memory_space<vmem_shared>>) target_semaphore(%run_scoped3A : memref<!tpu.dma_semaphore, #tpu.memory_space<semaphore_mem>>)
      %dma_wait3A = arith.constant 0 : i32
      %dma_wait3A_16 = tpu.memref_slice %arg10[%mul3A_2, %dma_wait3A] : memref<10000x128xf32, #tpu.memory_space<vmem_shared>> -> memref<625x128xf32, #tpu.memory_space<vmem_shared>>
      %dma_wait3A_17 = arith.constant 0 : i32
      %dma_wait3A_18 = tpu.memref_slice %arg5[%mul3A_0, %dma_wait3A_17] : memref<10000x128xf32, #tpu.memory_space<hbm>> -> memref<625x128xf32, #tpu.memory_space<hbm>>
      tpu.wait_dma2 semaphore(%run_scoped3A : memref<!tpu.dma_semaphore, #tpu.memory_space<semaphore_mem>>) src(%dma_wait3A_18 : memref<625x128xf32, #tpu.memory_space<hbm>>) dst(%dma_wait3A_16 : memref<625x128xf32, #tpu.memory_space<vmem_shared>>)
      tpu.yield
    }) : () -> ()
    %barrier3A = arith.constant 0 : index
    tpu.barrier barrier_id(%barrier3A)
    %scan3A = arith.constant 0 : i32
    %scan3A_3 = arith.constant 0 : i32
    %scan3A_4 = arith.constant 125 : i32
    %scan3A_5 = arith.addi %scan3A_3, %scan3A_4 : i32
    %scan3A_6 = arith.constant 1 : i32
    scf.for %scan3A_13 = %scan3A_3 to %scan3A_5 step %scan3A_6  : i32 {
      %dma_start3A = arith.constant 0 : i32
      %dma_start3A_14 = tpu.memref_slice %arg7[%scan3A_13, %dma_start3A] : memref<125x80xi32, #tpu.memory_space<vmem>> -> memref<1x80xi32, #tpu.memory_space<vmem>>
      %dma_start3A_15 = tpu.memref_squeeze %dma_start3A_14 : memref<1x80xi32, #tpu.memory_space<vmem>> -> memref<80xi32, #tpu.memory_space<vmem>>
      %dma_start3A_16 = arith.constant 0 : i32
      %dma_start3A_17 = arith.constant 0 : i32
      %dma_start3A_18 = tpu.memref_slice %arg4[%dma_start3A_16, %dma_start3A_17] : memref<10000x128xf32, #tpu.memory_space<hbm>> -> memref<10000x128xf32, #tpu.memory_space<hbm>>
      tpu.enqueue_indirect_dma source(%dma_start3A_18 : memref<10000x128xf32, #tpu.memory_space<hbm>>) target(%arg9 : memref<80x128xf32, #tpu.memory_space<vmem>>) offsets(%dma_start3A_15 : memref<80xi32, #tpu.memory_space<vmem>>) semaphore(%arg11 : memref<!tpu.dma_semaphore, #tpu.memory_space<semaphore_mem>>)
      %dma_wait3A = arith.constant 0 : i32
      %dma_wait3A_19 = tpu.memref_slice %arg7[%scan3A_13, %dma_wait3A] : memref<125x80xi32, #tpu.memory_space<vmem>> -> memref<1x80xi32, #tpu.memory_space<vmem>>
      %dma_wait3A_20 = tpu.memref_squeeze %dma_wait3A_19 : memref<1x80xi32, #tpu.memory_space<vmem>> -> memref<80xi32, #tpu.memory_space<vmem>>
      %dma_wait3A_21 = arith.constant 0 : i32
      %dma_wait3A_22 = arith.constant 0 : i32
      %dma_wait3A_23 = tpu.memref_slice %arg4[%dma_wait3A_21, %dma_wait3A_22] : memref<10000x128xf32, #tpu.memory_space<hbm>> -> memref<10000x128xf32, #tpu.memory_space<hbm>>
      tpu.wait_indirect_dma semaphore(%arg11 : memref<!tpu.dma_semaphore, #tpu.memory_space<semaphore_mem>>) src(%dma_wait3A_23 : memref<10000x128xf32, #tpu.memory_space<hbm>>) dst(%arg9 : memref<80x128xf32, #tpu.memory_space<vmem>>)
      "tpu.region"() ({
        %run_scoped3A = tpu.sem_alloc : memref<!tpu.dma_semaphore, #tpu.memory_space<semaphore_mem>>
        %dma_start3A_24 = arith.constant 0 : i32
        %dma_start3A_25 = tpu.memref_slice %arg8[%scan3A_13, %dma_start3A_24] : memref<125x80xi32, #tpu.memory_space<vmem>> -> memref<1x80xi32, #tpu.memory_space<vmem>>
        %dma_start3A_26 = tpu.memref_squeeze %dma_start3A_25 : memref<1x80xi32, #tpu.memory_space<vmem>> -> memref<80xi32, #tpu.memory_space<vmem>>
        %dma_start3A_27 = arith.constant 0 : i32
        %dma_start3A_28 = arith.constant 0 : i32
        %dma_start3A_29 = tpu.memref_slice %arg10[%dma_start3A_27, %dma_start3A_28] : memref<10000x128xf32, #tpu.memory_space<vmem_shared>> -> memref<10000x128xf32, #tpu.memory_space<vmem_shared>>
        tpu.enqueue_indirect_dma source(%arg9 : memref<80x128xf32, #tpu.memory_space<vmem>>) target(%dma_start3A_29 : memref<10000x128xf32, #tpu.memory_space<vmem_shared>>) offsets(%dma_start3A_26 : memref<80xi32, #tpu.memory_space<vmem>>) semaphore(%run_scoped3A : memref<!tpu.dma_semaphore, #tpu.memory_space<semaphore_mem>>) {add = true}
        %dma_wait3A_30 = arith.constant 0 : i32
        %dma_wait3A_31 = tpu.memref_slice %arg8[%scan3A_13, %dma_wait3A_30] : memref<125x80xi32, #tpu.memory_space<vmem>> -> memref<1x80xi32, #tpu.memory_space<vmem>>
        %dma_wait3A_32 = tpu.memref_squeeze %dma_wait3A_31 : memref<1x80xi32, #tpu.memory_space<vmem>> -> memref<80xi32, #tpu.memory_space<vmem>>
        %dma_wait3A_33 = arith.constant 0 : i32
        %dma_wait3A_34 = arith.constant 0 : i32
        %dma_wait3A_35 = tpu.memref_slice %arg10[%dma_wait3A_33, %dma_wait3A_34] : memref<10000x128xf32, #tpu.memory_space<vmem_shared>> -> memref<10000x128xf32, #tpu.memory_space<vmem_shared>>
        tpu.wait_indirect_dma semaphore(%run_scoped3A : memref<!tpu.dma_semaphore, #tpu.memory_space<semaphore_mem>>) src(%arg9 : memref<80x128xf32, #tpu.memory_space<vmem>>) dst(%dma_wait3A_35 : memref<10000x128xf32, #tpu.memory_space<vmem_shared>>)
        tpu.yield
      }) : () -> ()
    }
    %scan3A_7 = arith.constant 125 : i32
    %barrier3A_8 = arith.constant 0 : index
    tpu.barrier barrier_id(%barrier3A_8)
    %mul3A_9 = arith.constant 625 : i32
    %mul3A_10 = arith.muli %arg1, %mul3A_9 : i32
    %mul3A_11 = arith.constant 625 : i32
    %mul3A_12 = arith.muli %arg1, %mul3A_11 : i32
    "tpu.region"() ({
      %run_scoped3A = tpu.sem_alloc : memref<!tpu.dma_semaphore, #tpu.memory_space<semaphore_mem>>
      %dma_start3A = arith.constant 0 : i32
      %dma_start3A_13 = tpu.memref_slice %arg6[%arg0, %mul3A_12, %dma_start3A] : memref<2x10000x128xf32, #tpu.memory_space<hbm>> -> memref<1x625x128xf32, #tpu.memory_space<hbm>>
      %dma_start3A_14 = tpu.memref_squeeze %dma_start3A_13 : memref<1x625x128xf32, #tpu.memory_space<hbm>> -> memref<625x128xf32, #tpu.memory_space<hbm>>
      %dma_start3A_15 = arith.constant 0 : i32
      %dma_start3A_16 = tpu.memref_slice %arg10[%mul3A_10, %dma_start3A_15] : memref<10000x128xf32, #tpu.memory_space<vmem_shared>> -> memref<625x128xf32, #tpu.memory_space<vmem_shared>>
      tpu.enqueue_dma source(%dma_start3A_16 : memref<625x128xf32, #tpu.memory_space<vmem_shared>>) target(%dma_start3A_14 : memref<625x128xf32, #tpu.memory_space<hbm>>) target_semaphore(%run_scoped3A : memref<!tpu.dma_semaphore, #tpu.memory_space<semaphore_mem>>)
      %dma_wait3A = arith.constant 0 : i32
      %dma_wait3A_17 = tpu.memref_slice %arg6[%arg0, %mul3A_12, %dma_wait3A] : memref<2x10000x128xf32, #tpu.memory_space<hbm>> -> memref<1x625x128xf32, #tpu.memory_space<hbm>>
      %dma_wait3A_18 = tpu.memref_squeeze %dma_wait3A_17 : memref<1x625x128xf32, #tpu.memory_space<hbm>> -> memref<625x128xf32, #tpu.memory_space<hbm>>
      %dma_wait3A_19 = arith.constant 0 : i32
      %dma_wait3A_20 = tpu.memref_slice %arg10[%mul3A_10, %dma_wait3A_19] : memref<10000x128xf32, #tpu.memory_space<vmem_shared>> -> memref<625x128xf32, #tpu.memory_space<vmem_shared>>
      tpu.wait_dma2 semaphore(%run_scoped3A : memref<!tpu.dma_semaphore, #tpu.memory_space<semaphore_mem>>) src(%dma_wait3A_20 : memref<625x128xf32, #tpu.memory_space<vmem_shared>>) dst(%dma_wait3A_18 : memref<625x128xf32, #tpu.memory_space<hbm>>)
      tpu.yield
    }) : () -> ()
    return
  }
}

module attributes {stable_mosaic.version = 14 : i64} {
  func.func @_tc_inmid_body(%arg0: i32, %arg1: memref<1000x128xf32, #tpu.memory_space<vmem>>, %arg2: memref<128x128xf32, #tpu.memory_space<vmem>>, %arg3: memref<1x128xf32, #tpu.memory_space<vmem>>, %arg4: memref<128x128xf32, #tpu.memory_space<vmem>>, %arg5: memref<1000x16xf32, #tpu.memory_space<vmem>>, %arg6: memref<1000x16xf32, #tpu.memory_space<vmem>>, %arg7: memref<1000x128xf32, #tpu.memory_space<vmem>>, %arg8: memref<1000x128xf32, #tpu.memory_space<vmem>>) attributes {dimension_semantics = [#tpu.dimension_semantics<arbitrary>], iteration_bounds = array<i64: 10>, scalar_prefetch = 0 : i64, scratch_operands = 0 : i64, tpu.core_type = #tpu.core_type<tc>, window_params = [{transform_indices = @transform_0, window_bounds = array<i64: 1000, 128>}, {pipeline_mode = #tpu.pipeline_mode<synchronous>, transform_indices = @transform_1, window_bounds = array<i64: 128, 128>}, {pipeline_mode = #tpu.pipeline_mode<synchronous>, transform_indices = @transform_2, window_bounds = array<i64: 1, 128>}, {pipeline_mode = #tpu.pipeline_mode<synchronous>, transform_indices = @transform_3, window_bounds = array<i64: 128, 128>}, {transform_indices = @transform_4, window_bounds = array<i64: 1000, 16>}, {transform_indices = @transform_5, window_bounds = array<i64: 1000, 16>}, {transform_indices = @transform_6, window_bounds = array<i64: 1000, 128>}, {transform_indices = @transform_7, window_bounds = array<i64: 1000, 128>}]} {
    %get3A = arith.constant 0 : index
    %get3A_0 = arith.constant 0 : index
    %get3A_1 = vector.load %arg1[%get3A, %get3A_0] : memref<1000x128xf32, #tpu.memory_space<vmem>>, vector<1000x128xf32>
    %get3A_2 = arith.constant 0 : index
    %get3A_3 = arith.constant 0 : index
    %get3A_4 = vector.load %arg2[%get3A_2, %get3A_3] : memref<128x128xf32, #tpu.memory_space<vmem>>, vector<128x128xf32>
    %dot_general3A = arith.constant dense<0.000000e+00> : vector<1000x128xf32>
    %dot_general3A_5 = tpu.matmul %get3A_1, %get3A_4, %dot_general3A {dimension_numbers = #tpu.dot_dimension_numbers<[1], [0], [0], [1], [0, 0, 1, 1], [], []>, transpose_lhs_hint = false} : vector<1000x128xf32>, vector<128x128xf32>, vector<1000x128xf32> -> vector<1000x128xf32>
    %get3A_6 = arith.constant 0 : index
    %get3A_7 = arith.constant 0 : index
    %get3A_8 = vector.load %arg3[%get3A_6, %get3A_7] : memref<1x128xf32, #tpu.memory_space<vmem>>, vector<1x128xf32>
    %add3A = vector.broadcast %get3A_8 : vector<1x128xf32> to vector<1000x128xf32>
    %add3A_9 = arith.addf %dot_general3A_5, %add3A : vector<1000x128xf32>
    %max3A = arith.constant 0.000000e+00 : f32
    %max3A_10 = vector.broadcast %max3A : f32 to vector<1000x128xf32>
    %max3A_11 = arith.maximumf %add3A_9, %max3A_10 : vector<1000x128xf32>
    %swap3A = arith.constant 0 : index
    %swap3A_12 = arith.constant 0 : index
    %swap3A_13 = vector.load %arg7[%swap3A, %swap3A_12] : memref<1000x128xf32, #tpu.memory_space<vmem>>, vector<1000x128xf32>
    tpu.vector_store %arg7[%swap3A, %swap3A_12], %max3A_11 {strides = array<i32>} : memref<1000x128xf32, #tpu.memory_space<vmem>>, vector<1000x128xf32>,
    %get3A_14 = arith.constant 0 : index
    %get3A_15 = arith.constant 0 : index
    %get3A_16 = vector.load %arg5[%get3A_14, %get3A_15] : memref<1000x16xf32, #tpu.memory_space<vmem>>, vector<1000x16xf32>
    %get3A_17 = arith.constant 0 : index
    %get3A_18 = arith.constant 0 : index
    %get3A_19 = vector.load %arg6[%get3A_17, %get3A_18] : memref<1000x16xf32, #tpu.memory_space<vmem>>, vector<1000x16xf32>
    %slice3A = vector.extract_strided_slice %get3A_16 {offsets = [0, 0], sizes = [1000, 1], strides = [1, 1]} : vector<1000x16xf32> to vector<1000x1xf32>
    %slice3A_20 = vector.extract_strided_slice %get3A_19 {offsets = [0, 0], sizes = [1000, 1], strides = [1, 1]} : vector<1000x16xf32> to vector<1000x1xf32>
    %add3A_21 = arith.addf %slice3A, %slice3A_20 : vector<1000x1xf32>
    %add3A_22 = arith.constant 1.000000e+00 : f32
    %add3A_23 = vector.broadcast %add3A_22 : f32 to vector<1000x1xf32>
    %add3A_24 = arith.addf %add3A_21, %add3A_23 : vector<1000x1xf32>
    %rsqrt3A = math.rsqrt %add3A_24 : vector<1000x1xf32>
    %get3A_25 = arith.constant 0 : index
    %get3A_26 = arith.constant 0 : index
    %get3A_27 = vector.load %arg4[%get3A_25, %get3A_26] : memref<128x128xf32, #tpu.memory_space<vmem>>, vector<128x128xf32>
    %dot_general3A_28 = arith.constant dense<0.000000e+00> : vector<1000x128xf32>
    %dot_general3A_29 = tpu.matmul %max3A_11, %get3A_27, %dot_general3A_28 {dimension_numbers = #tpu.dot_dimension_numbers<[1], [0], [0], [1], [0, 0, 1, 1], [], []>, transpose_lhs_hint = false} : vector<1000x128xf32>, vector<128x128xf32>, vector<1000x128xf32> -> vector<1000x128xf32>
    %mul3A = vector.broadcast %rsqrt3A : vector<1000x1xf32> to vector<1000x128xf32>
    %mul3A_30 = arith.mulf %mul3A, %dot_general3A_29 : vector<1000x128xf32>
    %swap3A_31 = arith.constant 0 : index
    %swap3A_32 = arith.constant 0 : index
    %swap3A_33 = vector.load %arg8[%swap3A_31, %swap3A_32] : memref<1000x128xf32, #tpu.memory_space<vmem>>, vector<1000x128xf32>
    tpu.vector_store %arg8[%swap3A_31, %swap3A_32], %mul3A_30 {strides = array<i32>} : memref<1000x128xf32, #tpu.memory_space<vmem>>, vector<1000x128xf32>,
    return
  }
  func.func @transform_0(%arg0: i32) -> (i32, i32) {
    %c0_i32 = arith.constant 0 : i32
    %c0_i32_0 = arith.constant 0 : i32
    return %arg0, %c0_i32 : i32, i32
  }
  func.func @transform_1(%arg0: i32) -> (i32, i32) {
    %c0_i32 = arith.constant 0 : i32
    %c0_i32_0 = arith.constant 0 : i32
    %c0_i32_1 = arith.constant 0 : i32
    return %c0_i32, %c0_i32_0 : i32, i32
  }
  func.func @transform_2(%arg0: i32) -> (i32, i32) {
    %c0_i32 = arith.constant 0 : i32
    %c0_i32_0 = arith.constant 0 : i32
    %c0_i32_1 = arith.constant 0 : i32
    return %c0_i32, %c0_i32_0 : i32, i32
  }
  func.func @transform_3(%arg0: i32) -> (i32, i32) {
    %c0_i32 = arith.constant 0 : i32
    %c0_i32_0 = arith.constant 0 : i32
    %c0_i32_1 = arith.constant 0 : i32
    return %c0_i32, %c0_i32_0 : i32, i32
  }
  func.func @transform_4(%arg0: i32) -> (i32, i32) {
    %c0_i32 = arith.constant 0 : i32
    %c0_i32_0 = arith.constant 0 : i32
    return %arg0, %c0_i32 : i32, i32
  }
  func.func @transform_5(%arg0: i32) -> (i32, i32) {
    %c0_i32 = arith.constant 0 : i32
    %c0_i32_0 = arith.constant 0 : i32
    return %arg0, %c0_i32 : i32, i32
  }
  func.func @transform_6(%arg0: i32) -> (i32, i32) {
    %c0_i32 = arith.constant 0 : i32
    %c0_i32_0 = arith.constant 0 : i32
    return %arg0, %c0_i32 : i32, i32
  }
  func.func @transform_7(%arg0: i32) -> (i32, i32) {
    %c0_i32 = arith.constant 0 : i32
    %c0_i32_0 = arith.constant 0 : i32
    return %arg0, %c0_i32 : i32, i32
  }
}

module attributes {stable_mosaic.version = 14 : i64} {
  func.func @_tc_postmid_body(%arg0: i32, %arg1: memref<1000x128xf32, #tpu.memory_space<vmem>>, %arg2: memref<1000x128xf32, #tpu.memory_space<vmem>>, %arg3: memref<1000x128xf32, #tpu.memory_space<vmem>>, %arg4: memref<1000x16xf32, #tpu.memory_space<vmem>>, %arg5: memref<1000x16xf32, #tpu.memory_space<vmem>>, %arg6: memref<128x128xf32, #tpu.memory_space<vmem>>, %arg7: memref<1x128xf32, #tpu.memory_space<vmem>>, %arg8: memref<128x128xf32, #tpu.memory_space<vmem>>, %arg9: memref<1000x128xf32, #tpu.memory_space<vmem>>, %arg10: memref<1000x128xf32, #tpu.memory_space<vmem>>) attributes {dimension_semantics = [#tpu.dimension_semantics<arbitrary>], iteration_bounds = array<i64: 10>, scalar_prefetch = 0 : i64, scratch_operands = 0 : i64, tpu.core_type = #tpu.core_type<tc>, window_params = [{transform_indices = @transform_0, window_bounds = array<i64: 1000, 128>}, {transform_indices = @transform_1, window_bounds = array<i64: 1000, 128>}, {transform_indices = @transform_2, window_bounds = array<i64: 1000, 128>}, {transform_indices = @transform_3, window_bounds = array<i64: 1000, 16>}, {transform_indices = @transform_4, window_bounds = array<i64: 1000, 16>}, {pipeline_mode = #tpu.pipeline_mode<synchronous>, transform_indices = @transform_5, window_bounds = array<i64: 128, 128>}, {pipeline_mode = #tpu.pipeline_mode<synchronous>, transform_indices = @transform_6, window_bounds = array<i64: 1, 128>}, {pipeline_mode = #tpu.pipeline_mode<synchronous>, transform_indices = @transform_7, window_bounds = array<i64: 128, 128>}, {transform_indices = @transform_8, window_bounds = array<i64: 1000, 128>}, {transform_indices = @transform_9, window_bounds = array<i64: 1000, 128>}]} {
    %get3A = arith.constant 0 : index
    %get3A_0 = arith.constant 0 : index
    %get3A_1 = vector.load %arg4[%get3A, %get3A_0] : memref<1000x16xf32, #tpu.memory_space<vmem>>, vector<1000x16xf32>
    %get3A_2 = arith.constant 0 : index
    %get3A_3 = arith.constant 0 : index
    %get3A_4 = vector.load %arg5[%get3A_2, %get3A_3] : memref<1000x16xf32, #tpu.memory_space<vmem>>, vector<1000x16xf32>
    %slice3A = vector.extract_strided_slice %get3A_1 {offsets = [0, 0], sizes = [1000, 1], strides = [1, 1]} : vector<1000x16xf32> to vector<1000x1xf32>
    %slice3A_5 = vector.extract_strided_slice %get3A_4 {offsets = [0, 0], sizes = [1000, 1], strides = [1, 1]} : vector<1000x16xf32> to vector<1000x1xf32>
    %add3A = arith.addf %slice3A, %slice3A_5 : vector<1000x1xf32>
    %add3A_6 = arith.constant 1.000000e+00 : f32
    %add3A_7 = vector.broadcast %add3A_6 : f32 to vector<1000x1xf32>
    %add3A_8 = arith.addf %add3A, %add3A_7 : vector<1000x1xf32>
    %rsqrt3A = math.rsqrt %add3A_8 : vector<1000x1xf32>
    %get3A_9 = arith.constant 0 : index
    %get3A_10 = arith.constant 0 : index
    %get3A_11 = vector.load %arg1[%get3A_9, %get3A_10] : memref<1000x128xf32, #tpu.memory_space<vmem>>, vector<1000x128xf32>
    %get3A_12 = arith.constant 0 : index
    %get3A_13 = arith.constant 0 : index
    %get3A_14 = vector.load %arg2[%get3A_12, %get3A_13] : memref<1000x128xf32, #tpu.memory_space<vmem>>, vector<1000x128xf32>
    %add3A_15 = arith.addf %get3A_11, %get3A_14 : vector<1000x128xf32>
    %get3A_16 = arith.constant 0 : index
    %get3A_17 = arith.constant 0 : index
    %get3A_18 = vector.load %arg3[%get3A_16, %get3A_17] : memref<1000x128xf32, #tpu.memory_space<vmem>>, vector<1000x128xf32>
    %add3A_19 = arith.addf %add3A_15, %get3A_18 : vector<1000x128xf32>
    %mul3A = vector.broadcast %rsqrt3A : vector<1000x1xf32> to vector<1000x128xf32>
    %mul3A_20 = arith.mulf %mul3A, %add3A_19 : vector<1000x128xf32>
    %get3A_21 = arith.constant 0 : index
    %get3A_22 = arith.constant 0 : index
    %get3A_23 = vector.load %arg6[%get3A_21, %get3A_22] : memref<128x128xf32, #tpu.memory_space<vmem>>, vector<128x128xf32>
    %dot_general3A = arith.constant dense<0.000000e+00> : vector<1000x128xf32>
    %dot_general3A_24 = tpu.matmul %mul3A_20, %get3A_23, %dot_general3A {dimension_numbers = #tpu.dot_dimension_numbers<[1], [0], [0], [1], [0, 0, 1, 1], [], []>, transpose_lhs_hint = false} : vector<1000x128xf32>, vector<128x128xf32>, vector<1000x128xf32> -> vector<1000x128xf32>
    %get3A_25 = arith.constant 0 : index
    %get3A_26 = arith.constant 0 : index
    %get3A_27 = vector.load %arg7[%get3A_25, %get3A_26] : memref<1x128xf32, #tpu.memory_space<vmem>>, vector<1x128xf32>
    %add3A_28 = vector.broadcast %get3A_27 : vector<1x128xf32> to vector<1000x128xf32>
    %add3A_29 = arith.addf %dot_general3A_24, %add3A_28 : vector<1000x128xf32>
    %max3A = arith.constant 0.000000e+00 : f32
    %max3A_30 = vector.broadcast %max3A : f32 to vector<1000x128xf32>
    %max3A_31 = arith.maximumf %add3A_29, %max3A_30 : vector<1000x128xf32>
    %swap3A = arith.constant 0 : index
    %swap3A_32 = arith.constant 0 : index
    %swap3A_33 = vector.load %arg9[%swap3A, %swap3A_32] : memref<1000x128xf32, #tpu.memory_space<vmem>>, vector<1000x128xf32>
    tpu.vector_store %arg9[%swap3A, %swap3A_32], %max3A_31 {strides = array<i32>} : memref<1000x128xf32, #tpu.memory_space<vmem>>, vector<1000x128xf32>,
    %get3A_34 = arith.constant 0 : index
    %get3A_35 = arith.constant 0 : index
    %get3A_36 = vector.load %arg8[%get3A_34, %get3A_35] : memref<128x128xf32, #tpu.memory_space<vmem>>, vector<128x128xf32>
    %dot_general3A_37 = arith.constant dense<0.000000e+00> : vector<1000x128xf32>
    %dot_general3A_38 = tpu.matmul %max3A_31, %get3A_36, %dot_general3A_37 {dimension_numbers = #tpu.dot_dimension_numbers<[1], [0], [0], [1], [0, 0, 1, 1], [], []>, transpose_lhs_hint = false} : vector<1000x128xf32>, vector<128x128xf32>, vector<1000x128xf32> -> vector<1000x128xf32>
    %mul3A_39 = vector.broadcast %rsqrt3A : vector<1000x1xf32> to vector<1000x128xf32>
    %mul3A_40 = arith.mulf %mul3A_39, %dot_general3A_38 : vector<1000x128xf32>
    %swap3A_41 = arith.constant 0 : index
    %swap3A_42 = arith.constant 0 : index
    %swap3A_43 = vector.load %arg10[%swap3A_41, %swap3A_42] : memref<1000x128xf32, #tpu.memory_space<vmem>>, vector<1000x128xf32>
    tpu.vector_store %arg10[%swap3A_41, %swap3A_42], %mul3A_40 {strides = array<i32>} : memref<1000x128xf32, #tpu.memory_space<vmem>>, vector<1000x128xf32>,
    return
  }
  func.func @transform_0(%arg0: i32) -> (i32, i32) {
    %c0_i32 = arith.constant 0 : i32
    %c0_i32_0 = arith.constant 0 : i32
    return %arg0, %c0_i32 : i32, i32
  }
  func.func @transform_1(%arg0: i32) -> (i32, i32) {
    %c0_i32 = arith.constant 0 : i32
    %c0_i32_0 = arith.constant 0 : i32
    return %arg0, %c0_i32 : i32, i32
  }
  func.func @transform_2(%arg0: i32) -> (i32, i32) {
    %c0_i32 = arith.constant 0 : i32
    %c0_i32_0 = arith.constant 0 : i32
    return %arg0, %c0_i32 : i32, i32
  }
  func.func @transform_3(%arg0: i32) -> (i32, i32) {
    %c0_i32 = arith.constant 0 : i32
    %c0_i32_0 = arith.constant 0 : i32
    return %arg0, %c0_i32 : i32, i32
  }
  func.func @transform_4(%arg0: i32) -> (i32, i32) {
    %c0_i32 = arith.constant 0 : i32
    %c0_i32_0 = arith.constant 0 : i32
    return %arg0, %c0_i32 : i32, i32
  }
  func.func @transform_5(%arg0: i32) -> (i32, i32) {
    %c0_i32 = arith.constant 0 : i32
    %c0_i32_0 = arith.constant 0 : i32
    %c0_i32_1 = arith.constant 0 : i32
    return %c0_i32, %c0_i32_0 : i32, i32
  }
  func.func @transform_6(%arg0: i32) -> (i32, i32) {
    %c0_i32 = arith.constant 0 : i32
    %c0_i32_0 = arith.constant 0 : i32
    %c0_i32_1 = arith.constant 0 : i32
    return %c0_i32, %c0_i32_0 : i32, i32
  }
  func.func @transform_7(%arg0: i32) -> (i32, i32) {
    %c0_i32 = arith.constant 0 : i32
    %c0_i32_0 = arith.constant 0 : i32
    %c0_i32_1 = arith.constant 0 : i32
    return %c0_i32, %c0_i32_0 : i32, i32
  }
  func.func @transform_8(%arg0: i32) -> (i32, i32) {
    %c0_i32 = arith.constant 0 : i32
    %c0_i32_0 = arith.constant 0 : i32
    return %arg0, %c0_i32 : i32, i32
  }
  func.func @transform_9(%arg0: i32) -> (i32, i32) {
    %c0_i32 = arith.constant 0 : i32
    %c0_i32_0 = arith.constant 0 : i32
    return %arg0, %c0_i32 : i32, i32
  }
}

module attributes {stable_mosaic.version = 14 : i64} {
  func.func @_tc_postout_body(%arg0: i32, %arg1: memref<1000x128xf32, #tpu.memory_space<vmem>>, %arg2: memref<1000x128xf32, #tpu.memory_space<vmem>>, %arg3: memref<1000x128xf32, #tpu.memory_space<vmem>>, %arg4: memref<1000x16xf32, #tpu.memory_space<vmem>>, %arg5: memref<1000x16xf32, #tpu.memory_space<vmem>>, %arg6: memref<128x128xf32, #tpu.memory_space<vmem>>, %arg7: memref<1x128xf32, #tpu.memory_space<vmem>>, %arg8: memref<1000x128xf32, #tpu.memory_space<vmem>>, %arg9: memref<1000x128xf32, #tpu.memory_space<vmem>>, %arg10: memref<128x128xf32, #tpu.memory_space<vmem>>, %arg11: memref<1x128xf32, #tpu.memory_space<vmem>>, %arg12: memref<128x64xf32, #tpu.memory_space<vmem>>, %arg13: memref<1x64xf32, #tpu.memory_space<vmem>>, %arg14: memref<1000x64xf32, #tpu.memory_space<vmem>>) attributes {dimension_semantics = [#tpu.dimension_semantics<arbitrary>], iteration_bounds = array<i64: 10>, scalar_prefetch = 0 : i64, scratch_operands = 0 : i64, tpu.core_type = #tpu.core_type<tc>, window_params = [{transform_indices = @transform_0, window_bounds = array<i64: 1000, 128>}, {transform_indices = @transform_1, window_bounds = array<i64: 1000, 128>}, {transform_indices = @transform_2, window_bounds = array<i64: 1000, 128>}, {transform_indices = @transform_3, window_bounds = array<i64: 1000, 16>}, {transform_indices = @transform_4, window_bounds = array<i64: 1000, 16>}, {pipeline_mode = #tpu.pipeline_mode<synchronous>, transform_indices = @transform_5, window_bounds = array<i64: 128, 128>}, {pipeline_mode = #tpu.pipeline_mode<synchronous>, transform_indices = @transform_6, window_bounds = array<i64: 1, 128>}, {transform_indices = @transform_7, window_bounds = array<i64: 1000, 128>}, {transform_indices = @transform_8, window_bounds = array<i64: 1000, 128>}, {pipeline_mode = #tpu.pipeline_mode<synchronous>, transform_indices = @transform_9, window_bounds = array<i64: 128, 128>}, {pipeline_mode = #tpu.pipeline_mode<synchronous>, transform_indices = @transform_10, window_bounds = array<i64: 1, 128>}, {pipeline_mode = #tpu.pipeline_mode<synchronous>, transform_indices = @transform_11, window_bounds = array<i64: 128, 64>}, {pipeline_mode = #tpu.pipeline_mode<synchronous>, transform_indices = @transform_12, window_bounds = array<i64: 1, 64>}, {transform_indices = @transform_13, window_bounds = array<i64: 1000, 64>}]} {
    %get3A = arith.constant 0 : index
    %get3A_0 = arith.constant 0 : index
    %get3A_1 = vector.load %arg4[%get3A, %get3A_0] : memref<1000x16xf32, #tpu.memory_space<vmem>>, vector<1000x16xf32>
    %get3A_2 = arith.constant 0 : index
    %get3A_3 = arith.constant 0 : index
    %get3A_4 = vector.load %arg5[%get3A_2, %get3A_3] : memref<1000x16xf32, #tpu.memory_space<vmem>>, vector<1000x16xf32>
    %slice3A = vector.extract_strided_slice %get3A_1 {offsets = [0, 0], sizes = [1000, 1], strides = [1, 1]} : vector<1000x16xf32> to vector<1000x1xf32>
    %slice3A_5 = vector.extract_strided_slice %get3A_4 {offsets = [0, 0], sizes = [1000, 1], strides = [1, 1]} : vector<1000x16xf32> to vector<1000x1xf32>
    %add3A = arith.addf %slice3A, %slice3A_5 : vector<1000x1xf32>
    %add3A_6 = arith.constant 1.000000e+00 : f32
    %add3A_7 = vector.broadcast %add3A_6 : f32 to vector<1000x1xf32>
    %add3A_8 = arith.addf %add3A, %add3A_7 : vector<1000x1xf32>
    %rsqrt3A = math.rsqrt %add3A_8 : vector<1000x1xf32>
    %get3A_9 = arith.constant 0 : index
    %get3A_10 = arith.constant 0 : index
    %get3A_11 = vector.load %arg1[%get3A_9, %get3A_10] : memref<1000x128xf32, #tpu.memory_space<vmem>>, vector<1000x128xf32>
    %get3A_12 = arith.constant 0 : index
    %get3A_13 = arith.constant 0 : index
    %get3A_14 = vector.load %arg2[%get3A_12, %get3A_13] : memref<1000x128xf32, #tpu.memory_space<vmem>>, vector<1000x128xf32>
    %add3A_15 = arith.addf %get3A_11, %get3A_14 : vector<1000x128xf32>
    %get3A_16 = arith.constant 0 : index
    %get3A_17 = arith.constant 0 : index
    %get3A_18 = vector.load %arg3[%get3A_16, %get3A_17] : memref<1000x128xf32, #tpu.memory_space<vmem>>, vector<1000x128xf32>
    %add3A_19 = arith.addf %add3A_15, %get3A_18 : vector<1000x128xf32>
    %mul3A = vector.broadcast %rsqrt3A : vector<1000x1xf32> to vector<1000x128xf32>
    %mul3A_20 = arith.mulf %mul3A, %add3A_19 : vector<1000x128xf32>
    %get3A_21 = arith.constant 0 : index
    %get3A_22 = arith.constant 0 : index
    %get3A_23 = vector.load %arg6[%get3A_21, %get3A_22] : memref<128x128xf32, #tpu.memory_space<vmem>>, vector<128x128xf32>
    %dot_general3A = arith.constant dense<0.000000e+00> : vector<1000x128xf32>
    %dot_general3A_24 = tpu.matmul %mul3A_20, %get3A_23, %dot_general3A {dimension_numbers = #tpu.dot_dimension_numbers<[1], [0], [0], [1], [0, 0, 1, 1], [], []>, transpose_lhs_hint = false} : vector<1000x128xf32>, vector<128x128xf32>, vector<1000x128xf32> -> vector<1000x128xf32>
    %get3A_25 = arith.constant 0 : index
    %get3A_26 = arith.constant 0 : index
    %get3A_27 = vector.load %arg7[%get3A_25, %get3A_26] : memref<1x128xf32, #tpu.memory_space<vmem>>, vector<1x128xf32>
    %add3A_28 = vector.broadcast %get3A_27 : vector<1x128xf32> to vector<1000x128xf32>
    %add3A_29 = arith.addf %dot_general3A_24, %add3A_28 : vector<1000x128xf32>
    %max3A = arith.constant 0.000000e+00 : f32
    %max3A_30 = vector.broadcast %max3A : f32 to vector<1000x128xf32>
    %max3A_31 = arith.maximumf %add3A_29, %max3A_30 : vector<1000x128xf32>
    %get3A_32 = arith.constant 0 : index
    %get3A_33 = arith.constant 0 : index
    %get3A_34 = vector.load %arg8[%get3A_32, %get3A_33] : memref<1000x128xf32, #tpu.memory_space<vmem>>, vector<1000x128xf32>
    %get3A_35 = arith.constant 0 : index
    %get3A_36 = arith.constant 0 : index
    %get3A_37 = vector.load %arg9[%get3A_35, %get3A_36] : memref<1000x128xf32, #tpu.memory_space<vmem>>, vector<1000x128xf32>
    %max3A_38 = arith.maximumf %get3A_34, %get3A_37 : vector<1000x128xf32>
    %max3A_39 = arith.maximumf %max3A_38, %max3A_31 : vector<1000x128xf32>
    %get3A_40 = arith.constant 0 : index
    %get3A_41 = arith.constant 0 : index
    %get3A_42 = vector.load %arg10[%get3A_40, %get3A_41] : memref<128x128xf32, #tpu.memory_space<vmem>>, vector<128x128xf32>
    %dot_general3A_43 = arith.constant dense<0.000000e+00> : vector<1000x128xf32>
    %dot_general3A_44 = tpu.matmul %max3A_39, %get3A_42, %dot_general3A_43 {dimension_numbers = #tpu.dot_dimension_numbers<[1], [0], [0], [1], [0, 0, 1, 1], [], []>, transpose_lhs_hint = false} : vector<1000x128xf32>, vector<128x128xf32>, vector<1000x128xf32> -> vector<1000x128xf32>
    %get3A_45 = arith.constant 0 : index
    %get3A_46 = arith.constant 0 : index
    %get3A_47 = vector.load %arg11[%get3A_45, %get3A_46] : memref<1x128xf32, #tpu.memory_space<vmem>>, vector<1x128xf32>
    %add3A_48 = vector.broadcast %get3A_47 : vector<1x128xf32> to vector<1000x128xf32>
    %add3A_49 = arith.addf %dot_general3A_44, %add3A_48 : vector<1000x128xf32>
    %get3A_50 = arith.constant 0 : index
    %get3A_51 = arith.constant 0 : index
    %get3A_52 = vector.load %arg12[%get3A_50, %get3A_51] : memref<128x64xf32, #tpu.memory_space<vmem>>, vector<128x64xf32>
    %dot_general3A_53 = arith.constant dense<0.000000e+00> : vector<1000x64xf32>
    %dot_general3A_54 = tpu.matmul %add3A_49, %get3A_52, %dot_general3A_53 {dimension_numbers = #tpu.dot_dimension_numbers<[1], [0], [0], [1], [0, 0, 1, 1], [], []>, transpose_lhs_hint = false} : vector<1000x128xf32>, vector<128x64xf32>, vector<1000x64xf32> -> vector<1000x64xf32>
    %get3A_55 = arith.constant 0 : index
    %get3A_56 = arith.constant 0 : index
    %get3A_57 = vector.load %arg13[%get3A_55, %get3A_56] : memref<1x64xf32, #tpu.memory_space<vmem>>, vector<1x64xf32>
    %add3A_58 = vector.broadcast %get3A_57 : vector<1x64xf32> to vector<1000x64xf32>
    %add3A_59 = arith.addf %dot_general3A_54, %add3A_58 : vector<1000x64xf32>
    %swap3A = arith.constant 0 : index
    %swap3A_60 = arith.constant 0 : index
    %swap3A_61 = vector.load %arg14[%swap3A, %swap3A_60] : memref<1000x64xf32, #tpu.memory_space<vmem>>, vector<1000x64xf32>
    tpu.vector_store %arg14[%swap3A, %swap3A_60], %add3A_59 {strides = array<i32>} : memref<1000x64xf32, #tpu.memory_space<vmem>>, vector<1000x64xf32>,
    return
  }
  func.func @transform_0(%arg0: i32) -> (i32, i32) {
    %c0_i32 = arith.constant 0 : i32
    %c0_i32_0 = arith.constant 0 : i32
    return %arg0, %c0_i32 : i32, i32
  }
  func.func @transform_1(%arg0: i32) -> (i32, i32) {
    %c0_i32 = arith.constant 0 : i32
    %c0_i32_0 = arith.constant 0 : i32
    return %arg0, %c0_i32 : i32, i32
  }
  func.func @transform_2(%arg0: i32) -> (i32, i32) {
    %c0_i32 = arith.constant 0 : i32
    %c0_i32_0 = arith.constant 0 : i32
    return %arg0, %c0_i32 : i32, i32
  }
  func.func @transform_3(%arg0: i32) -> (i32, i32) {
    %c0_i32 = arith.constant 0 : i32
    %c0_i32_0 = arith.constant 0 : i32
    return %arg0, %c0_i32 : i32, i32
  }
  func.func @transform_4(%arg0: i32) -> (i32, i32) {
    %c0_i32 = arith.constant 0 : i32
    %c0_i32_0 = arith.constant 0 : i32
    return %arg0, %c0_i32 : i32, i32
  }
  func.func @transform_5(%arg0: i32) -> (i32, i32) {
    %c0_i32 = arith.constant 0 : i32
    %c0_i32_0 = arith.constant 0 : i32
    %c0_i32_1 = arith.constant 0 : i32
    return %c0_i32, %c0_i32_0 : i32, i32
  }
  func.func @transform_6(%arg0: i32) -> (i32, i32) {
    %c0_i32 = arith.constant 0 : i32
    %c0_i32_0 = arith.constant 0 : i32
    %c0_i32_1 = arith.constant 0 : i32
    return %c0_i32, %c0_i32_0 : i32, i32
  }
  func.func @transform_7(%arg0: i32) -> (i32, i32) {
    %c0_i32 = arith.constant 0 : i32
    %c0_i32_0 = arith.constant 0 : i32
    return %arg0, %c0_i32 : i32, i32
  }
  func.func @transform_8(%arg0: i32) -> (i32, i32) {
    %c0_i32 = arith.constant 0 : i32
    %c0_i32_0 = arith.constant 0 : i32
    return %arg0, %c0_i32 : i32, i32
  }
  func.func @transform_9(%arg0: i32) -> (i32, i32) {
    %c0_i32 = arith.constant 0 : i32
    %c0_i32_0 = arith.constant 0 : i32
    %c0_i32_1 = arith.constant 0 : i32
    return %c0_i32, %c0_i32_0 : i32, i32
  }
  func.func @transform_10(%arg0: i32) -> (i32, i32) {
    %c0_i32 = arith.constant 0 : i32
    %c0_i32_0 = arith.constant 0 : i32
    %c0_i32_1 = arith.constant 0 : i32
    return %c0_i32, %c0_i32_0 : i32, i32
  }
  func.func @transform_11(%arg0: i32) -> (i32, i32) {
    %c0_i32 = arith.constant 0 : i32
    %c0_i32_0 = arith.constant 0 : i32
    %c0_i32_1 = arith.constant 0 : i32
    return %c0_i32, %c0_i32_0 : i32, i32
  }
  func.func @transform_12(%arg0: i32) -> (i32, i32) {
    %c0_i32 = arith.constant 0 : i32
    %c0_i32_0 = arith.constant 0 : i32
    %c0_i32_1 = arith.constant 0 : i32
    return %c0_i32, %c0_i32_0 : i32, i32
  }
  func.func @transform_13(%arg0: i32) -> (i32, i32) {
    %c0_i32 = arith.constant 0 : i32
    %c0_i32_0 = arith.constant 0 : i32
    return %arg0, %c0_i32 : i32, i32
  }
}

</mosaic_0001>

<sc_bundles>
// kernel: kernel.11.cloned.1.call-start
scs
__scs_entry_jumppad:
0x0: {  	(pc) =	sbr.rel $0x88, $3  }
0x1: {  	(tag) =	ssettag $0x0;
	lr =	simm.s32 $0x1  }
0x2: {  	[smem:$0x3F95] =	sst lr;
	_ =	strace $0xD0000000  }
0x3: {  	_ = 	snop  }
0x4: {  	_ = 	snop  }
0x5: {  	_ = 	snop  }
0x6: {  	_ = 	snop  }
0x7: {  	_ = 	snop  }
__scs_overlays_trampoline_lowered:
0x8: {  	[smem:$0x3FA4] =	sst s0  }
0x9: {  	[smem:$0x3FA5] =	sst s1  }
0xa: {  	[smem:$0x3FA6] =	sst s2  }
0xb: {  	[smem:$0x3FA7] =	sst s3  }
0xc: {  	[smem:$0x3FA8] =	sst s4  }
0xd: {  	[smem:$0x3FA9] =	sst s5  }
0xe: {  	[smem:$0x3FAA] =	sst s6  }
0xf: {  	[smem:$0x3FAB] =	sst s7  }
0x10: {  	[smem:$0x3FAC] =	sst s8  }
0x11: {  	[smem:$0x3FAD] =	sst s9;
	s0 =	simm.s32 @!p0 $0x0  }
0x12: {  	s1 =	sld [smem:$0x3F93];
	s0 =	simm.s32 @p0 $0x1  }
0x13: {  	[smem:$0x3FAE] =	sst s0;
	s0 =	simm.s32 @!p1 $0x0  }
0x14: {  	s2 =	sld [smem:$0x3F92];
	s0 =	simm.s32 @p1 $0x1  }
0x15: {  	[smem:$0x3FAF] =	sst s0;
	s0 =	simm.s32 @!p2 $0x0  }
0x16: {  	s3 =	sld [smem:$0x3FDB];
	s0 =	simm.s32 @p2 $0x1  }
0x17: {  	s4 =	simm.s32 $0x1BF5;
	[smem:$0x3FB1] =	sst s0  }
0x18: {  	s0 =	sld [smem:$0x3F94];
	_ =	swait.ge [sflag:s4], $0x0  }
0x19: {  	s7 =	sld [smem:$0x3F95]  }
0x1a: {  	s8 =	sadd.s32 $0xFFFFE003, lr  }
0x1b: {  	s9 =	sadd.s32 $0xFFFFFEF7, lr;
	s5 =	simm.s32 $0xFFFFFFFF;
	p2 =	slt.u32 s8, $0xFFFFF086  }
0x1c: {  	p1 =	slt.u32 s9, $0xF7A;
	s5 =	simm.s32 @!p2 $0x0  }
0x1d: {  	s5 =	simm.s32 @p1 $0x1;
	p0 =	seq.s32 s7, s2  }
0x1e: {  	s7 =	smul.u32 @!p0 $0xF7A, s2;
	p2 =	seq.s32 @!p0 s5, $0x0  }
0x1f: {  	s9 =	smul.u32 $0xF7A, s1;
	s8 =	simm.s32 @!p0 $0x1BF5;
	p2 =	por !p2, p0  }
0x20: {  	[sflag:s8] =	ssyncset.s32 @!p0 $0xFFFFF086;
	s6 =	sadd.s32 @!p0 s3, s7;
	s7 =	simm.s32 @!p0 $0x108  }
0x21: {  	s3 =	sadd.s32 s3, s9;
	s6 =	sadd.s32 @!p0 $0x88, s6;
	s7 =	simm.s32 @p2 $0x1082  }
0x22: {  	[simem:s7], [sflag:s8] =	dma.local @!p0 [hbm:s6], $0xF7A  }
0x23: {  	s9 =	sor.u32 $0xD0000000, s2;
	s6 =	simm.s32 $0x108;
	_ =	swait.ge @!p0 [sflag:s8], $0x0  }
0x24: {  	s3 =	sadd.s32 $0x88, s3;
	s6 =	simm.s32 @!p1 $0x1082;
	[sflag:s4] =	ssyncset.s32 $0xFFFFF086  }
0x25: {  	[simem:s6], [sflag:s4] =	dma.local [hbm:s3], $0xF7A  }
0x26: {  	[smem:$0x3F95] =	sst s1;
	(tag) =	ssettag s2;
	_ =	strace s9  }
0x27: {  	s1 =	sld [smem:$0x3FA5]  }
0x28: {  	s2 =	sld [smem:$0x3FA6]  }
0x29: {  	s4 =	sld [smem:$0x3FA8]  }
0x2a: {  	p0 =	seq.s32 s5, $0x0;
	s5 =	sld [smem:$0x3FA9]  }
0x2b: {  	s6 =	sld [smem:$0x3FAA]  }
0x2c: {  	s7 =	sld [smem:$0x3FAB]  }
0x2d: {  	s3 =	simm.s32 $0x108;
	s8 =	sld [smem:$0x3FAC]  }
0x2e: {  	s3 =	simm.s32 @!p0 $0x1082;
	s9 =	sld [smem:$0x3FAD]  }
0x2f: {  	lr =	sadd.s32 s0, s3;
	s0 =	sld [smem:$0x3FA4]  }
0x30: {  	s3 =	sld [smem:$0x3FA7]  }
0x31: {  	[smem:$0x3FB0] =	sst s10  }
0x32: {  	s10 =	sld [smem:$0x3FAE];
	_ =	sdelay $0x3  }
0x33: {  	p0 =	seq.s32 s10, $0x1;
	s10 =	sld [smem:$0x3FB0];
	_ =	sdelay $0x3  }
0x34: {  	[smem:$0x3FB0] =	sst s10  }
0x35: {  	s10 =	sld [smem:$0x3FAF];
	_ =	sdelay $0x3  }
0x36: {  	p1 =	seq.s32 s10, $0x1;
	s10 =	sld [smem:$0x3FB0];
	_ =	sdelay $0x3  }
0x37: {  	[smem:$0x3FB0] =	sst s10  }
0x38: {  	s10 =	sld [smem:$0x3FB1]  }
0x39: {  	_ = 	snop;
	(pc) =	sbr.ind lr, $3  }
0x3a: {  	_ = 	snop  }
0x3b: {  	_ = 	snop  }
0x3c: {  	p2 =	seq.s32 s10, $0x1;
	s10 =	sld [smem:$0x3FB0]  }
0x3d: {  	_ =	shalt  }
0x3e: {  	_ =	shalt  }
0x3f: {  	_ =	shalt  }
0x40: {  	_ =	shalt  }
0x41: {  	_ =	shalt  }
0x42: {  	_ =	shalt  }
0x43: {  	_ =	shalt  }
0x44: {  	_ =	shalt  }
0x45: {  	_ =	shalt  }
0x46: {  	_ =	shalt  }
0x47: {  	_ =	shalt  }
0x48: {  	_ =	shalt  }
0x49: {  	_ =	shalt  }
0x4a: {  	_ =	shalt  }
0x4b: {  	_ =	shalt  }
0x4c: {  	_ =	shalt  }
0x4d: {  	_ =	shalt  }
0x4e: {  	_ =	shalt  }
0x4f: {  	_ =	shalt  }
0x50: {  	_ =	shalt  }
0x51: {  	_ =	shalt  }
0x52: {  	_ =	shalt  }
0x53: {  	_ =	shalt  }
0x54: {  	_ =	shalt  }
0x55: {  	_ =	shalt  }
0x56: {  	_ =	shalt  }
0x57: {  	_ =	shalt  }
0x58: {  	_ =	shalt  }
0x59: {  	_ =	shalt  }
0x5a: {  	_ =	shalt  }
0x5b: {  	_ =	shalt  }
0x5c: {  	_ =	shalt  }
0x5d: {  	_ =	shalt  }
0x5e: {  	_ =	shalt  }
0x5f: {  	_ =	shalt  }
0x60: {  	_ =	shalt  }
0x61: {  	_ =	shalt  }
0x62: {  	_ =	shalt  }
0x63: {  	_ =	shalt  }
0x64: {  	_ =	shalt  }
0x65: {  	_ =	shalt  }
0x66: {  	_ =	shalt  }
0x67: {  	_ =	shalt  }
0x68: {  	_ =	shalt  }
0x69: {  	_ =	shalt  }
0x6a: {  	_ =	shalt  }
0x6b: {  	_ =	shalt  }
0x6c: {  	_ =	shalt  }
0x6d: {  	_ =	shalt  }
0x6e: {  	_ =	shalt  }
0x6f: {  	_ =	shalt  }
0x70: {  	_ =	shalt  }
0x71: {  	_ =	shalt  }
0x72: {  	_ =	shalt  }
0x73: {  	_ =	shalt  }
0x74: {  	_ =	shalt  }
0x75: {  	_ =	shalt  }
0x76: {  	_ =	shalt  }
0x77: {  	_ =	shalt  }
0x78: {  	_ =	shalt  }
0x79: {  	_ =	shalt  }
0x7a: {  	_ =	shalt  }
0x7b: {  	_ =	shalt  }
0x7c: {  	_ =	shalt  }
0x7d: {  	_ =	shalt  }
0x7e: {  	_ =	shalt  }
0x7f: {  	_ =	shalt  }
0x80: {  	_ =	shalt  }
0x81: {  	_ =	shalt  }
0x82: {  	_ =	shalt  }
0x83: {  	_ =	shalt  }
0x84: {  	_ =	shalt  }
0x85: {  	_ =	shalt  }
0x86: {  	_ =	shalt  }
0x87: {  	_ =	shalt  }
.Lfunc_end0:
.L_simem_size_0:
called_computation.1_lowered:
.L_overlay_start_0:
0x88: {  	s2 =	sld [smem:$0x3FD9]  }
0x89: {  	s3 =	sld [smem:$0x3FFE];
	_ =	sdelay $0x1  }
0x8a: {  	s1 =	srdreg.scid  }
0x8b: {  	s0 =	sand.u32 $0x1, s1  }
0x8c: {  	s17 =	sshll.u32 s0, $0xA;
	s2 =	sadd.s32 s3, s2  }
0x8d: {  	s2 =	sadd.s32 s2, s17  }
0x8e: {  	[smem:$0x3FBC] =	sst s2  }
0x8f: {  	_ = 	snop  }
0x90: {  	s2 =	sld [smem:$0x3FD0];
	(tm) =	ssettm $0x1  }
0x91: {  	s18 =	sld [smem:$0x3FFB];
	_ =	sdelay $0x3  }
0x92: {  	_ =	strace s18  }
0x93: {  	s3 =	sld [smem:$0x3FFC];
	_ =	sdelay $0x3  }
0x94: {  	_ =	strace s3  }
0x95: {  	s3 =	sld [smem:$0x3FFD];
	_ =	sdelay $0x3  }
0x96: {  	_ =	strace s3  }
0x97: {  	_ =	strace $0x8FFFFFFF  }
0x98: {  	s19 =	sld [smem:$0x3FDB];
	_ =	sdelay $0x1  }
0x99: {  	s4 =	simm.s32 $_scs_section_size  }
0x9a: {  	s5 =	simm.s32 $_size__tile_overlayer_lowered;
	s6 =	simm.s32 $_tile_overlayer_lowered  }
0x9b: {  	s22 =	simm.s32 $0x1BFF;
	s21 =	sshll.u32 s6, $0x1;
	s3 =	sadd.s32 s4, s19  }
0x9c: {  	s7 =	simm.s32 $0x0;
	s20 =	sshll.u32 s5, $0x1;
	s5 =	sadd.s32 s21, s3  }
0x9d: {  	[timem:s7], [sflag:s22] =	dma.local [hbm:s5], s20  }
0x9e: {  	_ =	swait.ge [sflag:s22], s20  }
0x9f: {  	s4 =	ssub.s32 $0x0, s20;
	[sflag:s22] =	ssyncset.done $0x0  }
0xa0: {  	[sflag:s22] =	ssyncadd.s32 s4;
	_ =	sdelay $0x1  }
0xa1: {  	s23 =	simm.s32 $0x1B8B  }
0xa2: {  	_ =	swait.ge [sflag:s23], $0x1  }
0xa3: {  	[sflag:s23] =	ssyncset.done $0x0  }
0xa4: {  	s25 =	simm.s32 $0x1B8E;
	s24 =	sld [smem:$0x3FFE];
	[sflag:s23] =	ssyncadd.s32 $0xFFFFFFFF  }
0xa5: {  	s26 =	simm.s32 $execute0_lowered;
	[smem:$0x3FD2] =	sst s25  }
0xa6: {  	s5 =	sshll.u32 s26, $0x1;
	_ =	strace $0x80000049;
	[dreg:$0x1] =	wrdreg $0xFFFFFFFF  }
0xa7: {  	s28 =	simm.s32 $_size_execute0_lowered;
	s3 =	sadd.s32 s3, s5;
	[dreg:$0x0] =	wrdreg $0x0  }
0xa8: {  	s5 =	sshll.u32 s28, $0x1;
	[dreg:$0x2] =	wrdreg s3  }
0xa9: {  	[dreg:$0x3] =	wrdreg s5  }
0xaa: {  	[dreg:$0x4] =	wrdreg $0xC0  }
0xab: {  	_ =	task [dreg:s7], $0x5FFFF  }
0xac: {  	[dreg:$0x1] =	wrdreg $0xFFFFFFFF  }
0xad: {  	[dreg:$0x0] =	wrdreg $0x60  }
0xae: {  	[dreg:$0x2] =	wrdreg s24  }
0xaf: {  	[dreg:$0x3] =	wrdreg s2  }
0xb0: {  	[dreg:$0x4] =	wrdreg $0x76200  }
0xb1: {  	[dreg:$0x5] =	wrdreg $0x9  }
0xb2: {  	_ =	task.clear_ibuf [dreg:s7], $0x6FFFF;
	_ =	strace $0x90000049  }
0xb3: {  	s29 =	simm.s32 $0x9;
	_ =	strace $0x8000004B  }
0xb4: {  	_ =	swait.ge [sflag:s29], $0x1  }
0xb5: {  	[sflag:s29] =	ssyncadd.s32 $0xFFFFFFFF  }
0xb6: {  	_ =	strace $0x9000004B  }
0xb7: {  	_ =	sfence  }
0xb8: {  	s30 =	sld [smem:$0x0];
	_ =	sdelay $0x2  }
0xb9: {  	s31 =	sshll.u32 s1, $0xD;
	s1 =	sshrl.u32 s1, $0x2  }
0xba: {  	s3 =	sand.u32 $0x4000, s31;
	s1 =	sadd.s32 s1, s30  }
0xbb: {  	s0 =	sor.u32 s3, s0;
	s1 =	sshll.u32 s1, $0x11  }
0xbc: {  	s0 =	sor.u32 s1, s0  }
0xbd: {  	s0 =	sadd.s32 $0x8F2B, s0  }
0xbe: {  	[sflag:s0] =	ssyncadd.remote.s32 $0x1  }
0xbf: {  	_ =	sfence.sel $0xFFFF  }
0xc0: {  	[dreg:$0x0] =	wrdreg $0xFFFFFFFF;
	(pc) =	sbr.abs _section_cstart, $3  }
0xc1: {  	[dreg:$0x1] =	wrdreg $0xFFFFFFFF  }
0xc2: {  	_ =	task.clear_ibuf [dreg:s7], $0x2FFFF;
	_ =	strace $0x9FFFFFFF  }
0xc3: {  	(tm) =	ssettm $0x7FFFFFFF  }
tec
execute0_lowered:
.L_overlay_start_1:
0x0: {  	(tag) =	ssettag $0x1  }
0x1: {  	s5 =	rddreg [dreg:$0x0]  }
0x2: {  	s6 =	rddreg [dreg:$0x1]  }
0x3: {  	s0 =	srdreg.scid;
	s2 =	rddreg [dreg:$0x2]  }
0x4: {  	s1 =	rddreg [dreg:$0x3];
	s7 =	sand.u32 $0x1, s0  }
0x5: {  	s0 =	stileid.u32;
	s4 =	smul.u32 $0x27100, s7  }
0x6: {  	s3 =	simm.s32 $0x0;
	s15 =	simm.s32 $0x4E20;
	s8 =	smul.u32 $0x2710, s0  }
0x7: {  	s16 =	simm.s32 $0x1;
	s17 =	simm.s32 $0x0;
	s30 =	smul.u32 $0x13880, s0  }
0x8: {  	[smem:$0x7FF] =	sst s3;
	s10 =	smul.u32 $0x138800, s7;
	s7 =	ssub.s32 $0x2, s7  }
0x9: {  	_ =	strace $0x8000004A;
	s31 =	sshll.u32 s0, $0x6;
	s13 =	sshrl.u32 s7, $0x1  }
0xa: {  	s4 =	sadd.s32 s8, s4;
	s10 =	sadd.s32 s30, s10;
	s12 =	sshrl.u32 s30, $0x3  }
0xb: {  	s13 =	ssub.s32 s7, s13;
	s14 =	sadd.s32 s30, s2;
	s9 =	sshrl.u32 s4, $0x3  }
0xc: {  	s4 =	sadd.s32 $0x5B800, s5;
	s10 =	sshrl.u32 s10, $0x3;
	s12 =	sadd.s32 s12, s5  }
0xd: {  	s11 =	sadd.s32 s9, s5;
	s10 =	sadd.s32 s10, s5;
	s6 =	sadd.s32 s6, s9  }
0xe: {  	s7 =	sadd.s32 $0xA9C00, s12;
	s9 =	smax.u32 s13, $0x1;
	s12 =	sor.u32 $0x1C02, s31  }
0xf: {  	s13 =	sshrl.u32 s14, $0x3;
	s14 =	simm.s32 $0x50;
	s5 =	sadd.s32 $0x3600, s11  }
0x10: {  	s8 =	sadd.s32 $0xD0E00, s10;
	s10 =	simm.s32 $0x2;
	s11 =	simm.s32 $0x2710  }
.LBB2_1:
0x11: {  	[tilespmem:s3], [sflag:$0x2] =	stream.linear.gather [hbm4b:s5+s3], $0x2710, $0x38;
	[tilespmem:$0x1AEA0] =	vst v63  }
0x12: {  	_ =	swait.ge [sflag:s10], $0x2710  }
0x13: {  	[sflag:s10] =	ssyncset.done $0x0  }
0x14: {  	[sflag:s10] =	ssyncadd.s32 $0xFFFFD8F0  }
0x15: {  	[tilespmem:s11], [sflag:$0x2] =	stream.linear.gather [hbm4b:s6+s3], $0x2710, $0x38;
	[tilespmem:$0x1AEA0] =	vst v63  }
0x16: {  	_ =	swait.ge [sflag:s10], $0x2710  }
0x17: {  	[sflag:s10] =	ssyncset.done $0x0  }
0x18: {  	[sflag:s10] =	ssyncadd.s32 $0xFFFFD8F0  }
0x19: {  	[spmem:s13], [sflag:s12] =	dma.local [hbm:s7], $0x2710  }
0x1a: {  	_ =	swait.ge [sflag:s10], $0x2710  }
0x1b: {  	[sflag:s10] =	ssyncset.done $0x0  }
0x1c: {  	[sflag:s10] =	ssyncadd.s32 $0xFFFFD8F0  }
0x1d: {  	s18 =	simm.s32 $0x0;
	[bflag:$0x0] =	sbarrier.arrive $0xFFFF  }
0x1e: {  	[tilespmem:s15], [sflag:$0x1] =	stream.indirect.gather [hbm4b:s4+s14], $0x80, s18, s14, $0xb8;
	[tilespmem:$0x1AEA0] =	vst v63  }
0x1f: {  	_ =	swait.ge [sflag:s16], $0x2800  }
0x20: {  	[sflag:s16] =	ssyncset.done $0x0  }
0x21: {  	s31 =	simm.s32 $0x2710;
	[sflag:s16] =	ssyncadd.s32 $0xFFFFD800  }
0x22: {  	[spmem:s2] =	stream.indirect.scatter.add.f32 [tilespmem:s15], [sflag:$0x2], $0x80, s31, s14, $0xb8;
	[tilespmem:$0x1AEA0] =	vst v63  }
0x23: {  	_ =	swait.ge [sflag:s10], $0x2800  }
0x24: {  	s19 =	simm.s32 $0x280;
	s18 =	simm.s32 $0x140;
	[sflag:s10] =	ssyncset.done $0x0  }
.LBB2_2:
0x25: {  	s20 =	sshra.s32 s18, $0x2  }
0x26: {  	[sflag:s10] =	ssyncadd.s32 $0xFFFFD800;
	s18 =	smov.u32 s19;
	s21 =	sadd.s32 $0x140, s19  }
0x27: {  	[tilespmem:s15], [sflag:$0x1] =	stream.indirect.gather [hbm4b:s4+s14], $0x80, s20, s14, $0xb8;
	[tilespmem:$0x1AEA0] =	vst v63  }
0x28: {  	p0 =	sne.s32 s19, $0x9B00;
	_ =	swait.ge [sflag:s16], $0x2800  }
.Ltmp0:
0x29: {  	[sflag:s16] =	ssyncset.done $0x0;
	(pc) =	sbr.rel @p0 .LBB2_2-.Ltmp0, $4  }
0x2a: {  	s19 =	sadd.s32 $0x2710, s20;
	[sflag:s16] =	ssyncadd.s32 $0xFFFFD800  }
0x2b: {  	[spmem:s2] =	stream.indirect.scatter.add.f32 [tilespmem:s15], [sflag:$0x2], $0x80, s19, s14, $0xb8;
	[tilespmem:$0x1AEA0] =	vst v63  }
0x2c: {  	_ =	swait.ge [sflag:s10], $0x2800  }
0x2d: {  	s19 =	smov.u32 s21;
	[sflag:s10] =	ssyncset.done $0x0  }
0x2e: {  	s18 =	sshra.s32 s18, $0x2;
	[sflag:s10] =	ssyncadd.s32 $0xFFFFD800  }
0x2f: {  	[tilespmem:s15], [sflag:$0x1] =	stream.indirect.gather [hbm4b:s4+s14], $0x80, s18, s14, $0xb8;
	[tilespmem:$0x1AEA0] =	vst v63  }
0x30: {  	_ =	swait.ge [sflag:s16], $0x2800  }
0x31: {  	[sflag:s16] =	ssyncset.done $0x0  }
0x32: {  	s18 =	sadd.s32 $0x2710, s18;
	[sflag:s16] =	ssyncadd.s32 $0xFFFFD800  }
0x33: {  	[spmem:s2] =	stream.indirect.scatter.add.f32 [tilespmem:s15], [sflag:$0x2], $0x80, s18, s14, $0xb8;
	[tilespmem:$0x1AEA0] =	vst v63  }
0x34: {  	_ =	swait.ge [sflag:s10], $0x2800  }
0x35: {  	s17 =	sadd.s32 $0x1, s17;
	[sflag:s10] =	ssyncset.done $0x0  }
0x36: {  	p0 =	sne.s32 s17, s9;
	[sflag:s10] =	ssyncadd.s32 $0xFFFFD800  }
.Ltmp1:
0x37: {  	[bflag:$0x0] =	sbarrier.arrive $0xFFFF;
	(pc) =	sbr.rel @p0 .LBB2_1-.Ltmp1, $4  }
0x38: {  	[hbm:s8], [sflag:s12] =	dma.local [spmem:s13], $0x2710  }
0x39: {  	_ =	swait.ge [sflag:s10], $0x2710  }
0x3a: {  	[sflag:s10] =	ssyncset.done $0x0  }
0x3b: {  	[sflag:s10] =	ssyncadd.s32 $0xFFFFD8F0  }
0x3c: {  	_ =	sfence.sel $0x180000  }
0x3d: {  	[bflag:$0x0] =	sbarrier.arrive $0xFFFF  }
0x3e: {  	p0 =	sne.s32 s0, $0x0;
	_ =	strace $0x9000004A  }
0x3f: {  	s0 =	sadd.s32 @!p0 $0x100000, s1;
	[bflag:$0x2] =	sbarrier.arrive $0xFFFF  }
0x40: {  	[sflag:s0] =	ssyncadd.tile.s32 @!p0 $0x1;
	_ =	shalt  }
.Lfunc_end2:
_tile_overlayer_lowered:
.L_overlay_start_2:
0x41: {  	(tag) =	ssettag $0x2  }
0x42: {  	s0 =	rddreg [dreg:$0x0];
	s2 =	stileid.u32  }
0x43: {  	s1 =	rddreg [dreg:$0x1];
	p0 =	sne.s32 s2, $0x0  }
0x44: {  	s3 =	rddreg [dreg:$0x2];
	[bflag:$0x3] =	sbarrier.arrive $0xFFFF;
	s2 =	simm.s32 @!p0 $0x1C02  }
0x45: {  	[timem:s3], [sflag:s2] =	dma.local @!p0 [hbm:s0], s1  }
0x46: {  	s0 =	simm.s32 @!p0 $0x2  }
0x47: {  	_ =	swait.ge @!p0 [sflag:s0], s1  }
0x48: {  	s1 =	ssub.s32 @!p0 $0x0, s1;
	[sflag:s0] =	ssyncset.done @!p0 $0x0  }
0x49: {  	[sflag:s0] =	ssyncadd.s32 @!p0 s1  }
0x4a: {  	[bflag:$0x3] =	sbarrier.arrive $0xFFFF  }
0x4b: {  	_ =	shalt  }

// kernel: kernel.14.cloned.1.call-start
scs
__scs_entry_jumppad:
0x0: {  	(pc) =	sbr.rel $0x88, $3  }
0x1: {  	(tag) =	ssettag $0x0;
	lr =	simm.s32 $0x1  }
0x2: {  	[smem:$0x3F95] =	sst lr;
	_ =	strace $0xD0000000  }
0x3: {  	_ = 	snop  }
0x4: {  	_ = 	snop  }
0x5: {  	_ = 	snop  }
0x6: {  	_ = 	snop  }
0x7: {  	_ = 	snop  }
__scs_overlays_trampoline_lowered:
0x8: {  	[smem:$0x3FA4] =	sst s0  }
0x9: {  	[smem:$0x3FA5] =	sst s1  }
0xa: {  	[smem:$0x3FA6] =	sst s2  }
0xb: {  	[smem:$0x3FA7] =	sst s3  }
0xc: {  	[smem:$0x3FA8] =	sst s4  }
0xd: {  	[smem:$0x3FA9] =	sst s5  }
0xe: {  	[smem:$0x3FAA] =	sst s6  }
0xf: {  	[smem:$0x3FAB] =	sst s7  }
0x10: {  	[smem:$0x3FAC] =	sst s8  }
0x11: {  	[smem:$0x3FAD] =	sst s9;
	s0 =	simm.s32 @!p0 $0x0  }
0x12: {  	s1 =	sld [smem:$0x3F93];
	s0 =	simm.s32 @p0 $0x1  }
0x13: {  	[smem:$0x3FAE] =	sst s0;
	s0 =	simm.s32 @!p1 $0x0  }
0x14: {  	s2 =	sld [smem:$0x3F92];
	s0 =	simm.s32 @p1 $0x1  }
0x15: {  	[smem:$0x3FAF] =	sst s0;
	s0 =	simm.s32 @!p2 $0x0  }
0x16: {  	s3 =	sld [smem:$0x3FDB];
	s0 =	simm.s32 @p2 $0x1  }
0x17: {  	s4 =	simm.s32 $0x1BF5;
	[smem:$0x3FB1] =	sst s0  }
0x18: {  	s0 =	sld [smem:$0x3F94];
	_ =	swait.ge [sflag:s4], $0x0  }
0x19: {  	s7 =	sld [smem:$0x3F95]  }
0x1a: {  	s8 =	sadd.s32 $0xFFFFE003, lr  }
0x1b: {  	s9 =	sadd.s32 $0xFFFFFEF7, lr;
	s5 =	simm.s32 $0xFFFFFFFF;
	p2 =	slt.u32 s8, $0xFFFFF086  }
0x1c: {  	p1 =	slt.u32 s9, $0xF7A;
	s5 =	simm.s32 @!p2 $0x0  }
0x1d: {  	s5 =	simm.s32 @p1 $0x1;
	p0 =	seq.s32 s7, s2  }
0x1e: {  	s7 =	smul.u32 @!p0 $0xF7A, s2;
	p2 =	seq.s32 @!p0 s5, $0x0  }
0x1f: {  	s9 =	smul.u32 $0xF7A, s1;
	s8 =	simm.s32 @!p0 $0x1BF5;
	p2 =	por !p2, p0  }
0x20: {  	[sflag:s8] =	ssyncset.s32 @!p0 $0xFFFFF086;
	s6 =	sadd.s32 @!p0 s3, s7;
	s7 =	simm.s32 @!p0 $0x108  }
0x21: {  	s3 =	sadd.s32 s3, s9;
	s6 =	sadd.s32 @!p0 $0x88, s6;
	s7 =	simm.s32 @p2 $0x1082  }
0x22: {  	[simem:s7], [sflag:s8] =	dma.local @!p0 [hbm:s6], $0xF7A  }
0x23: {  	s9 =	sor.u32 $0xD0000000, s2;
	s6 =	simm.s32 $0x108;
	_ =	swait.ge @!p0 [sflag:s8], $0x0  }
0x24: {  	s3 =	sadd.s32 $0x88, s3;
	s6 =	simm.s32 @!p1 $0x1082;
	[sflag:s4] =	ssyncset.s32 $0xFFFFF086  }
0x25: {  	[simem:s6], [sflag:s4] =	dma.local [hbm:s3], $0xF7A  }
0x26: {  	[smem:$0x3F95] =	sst s1;
	(tag) =	ssettag s2;
	_ =	strace s9  }
0x27: {  	s1 =	sld [smem:$0x3FA5]  }
0x28: {  	s2 =	sld [smem:$0x3FA6]  }
0x29: {  	s4 =	sld [smem:$0x3FA8]  }
0x2a: {  	p0 =	seq.s32 s5, $0x0;
	s5 =	sld [smem:$0x3FA9]  }
0x2b: {  	s6 =	sld [smem:$0x3FAA]  }
0x2c: {  	s7 =	sld [smem:$0x3FAB]  }
0x2d: {  	s3 =	simm.s32 $0x108;
	s8 =	sld [smem:$0x3FAC]  }
0x2e: {  	s3 =	simm.s32 @!p0 $0x1082;
	s9 =	sld [smem:$0x3FAD]  }
0x2f: {  	lr =	sadd.s32 s0, s3;
	s0 =	sld [smem:$0x3FA4]  }
0x30: {  	s3 =	sld [smem:$0x3FA7]  }
0x31: {  	[smem:$0x3FB0] =	sst s10  }
0x32: {  	s10 =	sld [smem:$0x3FAE];
	_ =	sdelay $0x3  }
0x33: {  	p0 =	seq.s32 s10, $0x1;
	s10 =	sld [smem:$0x3FB0];
	_ =	sdelay $0x3  }
0x34: {  	[smem:$0x3FB0] =	sst s10  }
0x35: {  	s10 =	sld [smem:$0x3FAF];
	_ =	sdelay $0x3  }
0x36: {  	p1 =	seq.s32 s10, $0x1;
	s10 =	sld [smem:$0x3FB0];
	_ =	sdelay $0x3  }
0x37: {  	[smem:$0x3FB0] =	sst s10  }
0x38: {  	s10 =	sld [smem:$0x3FB1]  }
0x39: {  	_ = 	snop;
	(pc) =	sbr.ind lr, $3  }
0x3a: {  	_ = 	snop  }
0x3b: {  	_ = 	snop  }
0x3c: {  	p2 =	seq.s32 s10, $0x1;
	s10 =	sld [smem:$0x3FB0]  }
0x3d: {  	_ =	shalt  }
0x3e: {  	_ =	shalt  }
0x3f: {  	_ =	shalt  }
0x40: {  	_ =	shalt  }
0x41: {  	_ =	shalt  }
0x42: {  	_ =	shalt  }
0x43: {  	_ =	shalt  }
0x44: {  	_ =	shalt  }
0x45: {  	_ =	shalt  }
0x46: {  	_ =	shalt  }
0x47: {  	_ =	shalt  }
0x48: {  	_ =	shalt  }
0x49: {  	_ =	shalt  }
0x4a: {  	_ =	shalt  }
0x4b: {  	_ =	shalt  }
0x4c: {  	_ =	shalt  }
0x4d: {  	_ =	shalt  }
0x4e: {  	_ =	shalt  }
0x4f: {  	_ =	shalt  }
0x50: {  	_ =	shalt  }
0x51: {  	_ =	shalt  }
0x52: {  	_ =	shalt  }
0x53: {  	_ =	shalt  }
0x54: {  	_ =	shalt  }
0x55: {  	_ =	shalt  }
0x56: {  	_ =	shalt  }
0x57: {  	_ =	shalt  }
0x58: {  	_ =	shalt  }
0x59: {  	_ =	shalt  }
0x5a: {  	_ =	shalt  }
0x5b: {  	_ =	shalt  }
0x5c: {  	_ =	shalt  }
0x5d: {  	_ =	shalt  }
0x5e: {  	_ =	shalt  }
0x5f: {  	_ =	shalt  }
0x60: {  	_ =	shalt  }
0x61: {  	_ =	shalt  }
0x62: {  	_ =	shalt  }
0x63: {  	_ =	shalt  }
0x64: {  	_ =	shalt  }
0x65: {  	_ =	shalt  }
0x66: {  	_ =	shalt  }
0x67: {  	_ =	shalt  }
0x68: {  	_ =	shalt  }
0x69: {  	_ =	shalt  }
0x6a: {  	_ =	shalt  }
0x6b: {  	_ =	shalt  }
0x6c: {  	_ =	shalt  }
0x6d: {  	_ =	shalt  }
0x6e: {  	_ =	shalt  }
0x6f: {  	_ =	shalt  }
0x70: {  	_ =	shalt  }
0x71: {  	_ =	shalt  }
0x72: {  	_ =	shalt  }
0x73: {  	_ =	shalt  }
0x74: {  	_ =	shalt  }
0x75: {  	_ =	shalt  }
0x76: {  	_ =	shalt  }
0x77: {  	_ =	shalt  }
0x78: {  	_ =	shalt  }
0x79: {  	_ =	shalt  }
0x7a: {  	_ =	shalt  }
0x7b: {  	_ =	shalt  }
0x7c: {  	_ =	shalt  }
0x7d: {  	_ =	shalt  }
0x7e: {  	_ =	shalt  }
0x7f: {  	_ =	shalt  }
0x80: {  	_ =	shalt  }
0x81: {  	_ =	shalt  }
0x82: {  	_ =	shalt  }
0x83: {  	_ =	shalt  }
0x84: {  	_ =	shalt  }
0x85: {  	_ =	shalt  }
0x86: {  	_ =	shalt  }
0x87: {  	_ =	shalt  }
.Lfunc_end0:
.L_simem_size_0:
called_computation.2_lowered:
.L_overlay_start_0:
0x88: {  	s2 =	sld [smem:$0x3FD9]  }
0x89: {  	s3 =	sld [smem:$0x3FFE];
	_ =	sdelay $0x1  }
0x8a: {  	s1 =	srdreg.scid  }
0x8b: {  	s0 =	sand.u32 $0x1, s1  }
0x8c: {  	s17 =	sshll.u32 s0, $0xA;
	s2 =	sadd.s32 s3, s2  }
0x8d: {  	s2 =	sadd.s32 s2, s17  }
0x8e: {  	[smem:$0x3FBC] =	sst s2  }
0x8f: {  	_ = 	snop  }
0x90: {  	s2 =	sld [smem:$0x3FD0];
	(tm) =	ssettm $0x1  }
0x91: {  	s18 =	sld [smem:$0x3FFB];
	_ =	sdelay $0x3  }
0x92: {  	_ =	strace s18  }
0x93: {  	s3 =	sld [smem:$0x3FFC];
	_ =	sdelay $0x3  }
0x94: {  	_ =	strace s3  }
0x95: {  	s3 =	sld [smem:$0x3FFD];
	_ =	sdelay $0x3  }
0x96: {  	_ =	strace s3  }
0x97: {  	_ =	strace $0x8FFFFFFF  }
0x98: {  	s19 =	sld [smem:$0x3FDB];
	_ =	sdelay $0x1  }
0x99: {  	s4 =	simm.s32 $_scs_section_size  }
0x9a: {  	s5 =	simm.s32 $_size__tile_overlayer_lowered;
	s6 =	simm.s32 $_tile_overlayer_lowered  }
0x9b: {  	s22 =	simm.s32 $0x1BFF;
	s21 =	sshll.u32 s6, $0x1;
	s3 =	sadd.s32 s4, s19  }
0x9c: {  	s7 =	simm.s32 $0x0;
	s20 =	sshll.u32 s5, $0x1;
	s5 =	sadd.s32 s21, s3  }
0x9d: {  	[timem:s7], [sflag:s22] =	dma.local [hbm:s5], s20  }
0x9e: {  	_ =	swait.ge [sflag:s22], s20  }
0x9f: {  	s4 =	ssub.s32 $0x0, s20;
	[sflag:s22] =	ssyncset.done $0x0  }
0xa0: {  	[sflag:s22] =	ssyncadd.s32 s4;
	_ =	sdelay $0x1  }
0xa1: {  	s23 =	simm.s32 $0x1B8B  }
0xa2: {  	_ =	swait.ge [sflag:s23], $0x1  }
0xa3: {  	[sflag:s23] =	ssyncset.done $0x0  }
0xa4: {  	s25 =	simm.s32 $0x1B8E;
	s24 =	sld [smem:$0x3FFE];
	[sflag:s23] =	ssyncadd.s32 $0xFFFFFFFF  }
0xa5: {  	s26 =	simm.s32 $execute0_lowered;
	[smem:$0x3FD2] =	sst s25  }
0xa6: {  	s5 =	sshll.u32 s26, $0x1;
	_ =	strace $0x8000004C;
	[dreg:$0x1] =	wrdreg $0xFFFFFFFF  }
0xa7: {  	s28 =	simm.s32 $_size_execute0_lowered;
	s3 =	sadd.s32 s3, s5;
	[dreg:$0x0] =	wrdreg $0x0  }
0xa8: {  	s5 =	sshll.u32 s28, $0x1;
	[dreg:$0x2] =	wrdreg s3  }
0xa9: {  	[dreg:$0x3] =	wrdreg s5  }
0xaa: {  	[dreg:$0x4] =	wrdreg $0xC0  }
0xab: {  	_ =	task [dreg:s7], $0x5FFFF  }
0xac: {  	[dreg:$0x1] =	wrdreg $0xFFFFFFFF  }
0xad: {  	[dreg:$0x0] =	wrdreg $0x60  }
0xae: {  	[dreg:$0x2] =	wrdreg s24  }
0xaf: {  	[dreg:$0x3] =	wrdreg s2  }
0xb0: {  	[dreg:$0x4] =	wrdreg $0x76200  }
0xb1: {  	[dreg:$0x5] =	wrdreg $0x9  }
0xb2: {  	_ =	task.clear_ibuf [dreg:s7], $0x6FFFF;
	_ =	strace $0x9000004C  }
0xb3: {  	s29 =	simm.s32 $0x9;
	_ =	strace $0x8000004E  }
0xb4: {  	_ =	swait.ge [sflag:s29], $0x1  }
0xb5: {  	[sflag:s29] =	ssyncadd.s32 $0xFFFFFFFF  }
0xb6: {  	_ =	strace $0x9000004E  }
0xb7: {  	_ =	sfence  }
0xb8: {  	s30 =	sld [smem:$0x0];
	_ =	sdelay $0x2  }
0xb9: {  	s31 =	sshll.u32 s1, $0xD;
	s1 =	sshrl.u32 s1, $0x2  }
0xba: {  	s3 =	sand.u32 $0x4000, s31;
	s1 =	sadd.s32 s1, s30  }
0xbb: {  	s0 =	sor.u32 s3, s0;
	s1 =	sshll.u32 s1, $0x11  }
0xbc: {  	s0 =	sor.u32 s1, s0  }
0xbd: {  	s0 =	sadd.s32 $0x8F2B, s0  }
0xbe: {  	[sflag:s0] =	ssyncadd.remote.s32 $0x1  }
0xbf: {  	_ =	sfence.sel $0xFFFF  }
0xc0: {  	[dreg:$0x0] =	wrdreg $0xFFFFFFFF;
	(pc) =	sbr.abs _section_cstart, $3  }
0xc1: {  	[dreg:$0x1] =	wrdreg $0xFFFFFFFF  }
0xc2: {  	_ =	task.clear_ibuf [dreg:s7], $0x2FFFF;
	_ =	strace $0x9FFFFFFF  }
0xc3: {  	(tm) =	ssettm $0x7FFFFFFF  }
tec
execute0_lowered:
.L_overlay_start_1:
0x0: {  	(tag) =	ssettag $0x1  }
0x1: {  	s5 =	rddreg [dreg:$0x0]  }
0x2: {  	s6 =	rddreg [dreg:$0x1]  }
0x3: {  	s0 =	srdreg.scid;
	s2 =	rddreg [dreg:$0x2]  }
0x4: {  	s1 =	rddreg [dreg:$0x3];
	s7 =	sand.u32 $0x1, s0  }
0x5: {  	s0 =	stileid.u32;
	s4 =	smul.u32 $0x27100, s7  }
0x6: {  	s3 =	simm.s32 $0x0;
	s15 =	simm.s32 $0x4E20;
	s8 =	smul.u32 $0x2710, s0  }
0x7: {  	s16 =	simm.s32 $0x1;
	s17 =	simm.s32 $0x0;
	s30 =	smul.u32 $0x13880, s0  }
0x8: {  	[smem:$0x7FF] =	sst s3;
	s10 =	smul.u32 $0x138800, s7;
	s7 =	ssub.s32 $0x2, s7  }
0x9: {  	_ =	strace $0x8000004D;
	s31 =	sshll.u32 s0, $0x6;
	s13 =	sshrl.u32 s7, $0x1  }
0xa: {  	s4 =	sadd.s32 s8, s4;
	s10 =	sadd.s32 s30, s10;
	s12 =	sshrl.u32 s30, $0x3  }
0xb: {  	s13 =	ssub.s32 s7, s13;
	s14 =	sadd.s32 s30, s2;
	s9 =	sshrl.u32 s4, $0x3  }
0xc: {  	s4 =	sadd.s32 $0x5B800, s5;
	s10 =	sshrl.u32 s10, $0x3;
	s12 =	sadd.s32 s12, s5  }
0xd: {  	s11 =	sadd.s32 s9, s5;
	s10 =	sadd.s32 s10, s5;
	s6 =	sadd.s32 s6, s9  }
0xe: {  	s7 =	sadd.s32 $0xA9C00, s12;
	s9 =	smax.u32 s13, $0x1;
	s12 =	sor.u32 $0x1C02, s31  }
0xf: {  	s13 =	sshrl.u32 s14, $0x3;
	s14 =	simm.s32 $0x50;
	s5 =	sadd.s32 $0x3600, s11  }
0x10: {  	s8 =	sadd.s32 $0xF8000, s10;
	s10 =	simm.s32 $0x2;
	s11 =	simm.s32 $0x2710  }
.LBB2_1:
0x11: {  	[tilespmem:s3], [sflag:$0x2] =	stream.linear.gather [hbm4b:s5+s3], $0x2710, $0x38;
	[tilespmem:$0x1AEA0] =	vst v63  }
0x12: {  	_ =	swait.ge [sflag:s10], $0x2710  }
0x13: {  	[sflag:s10] =	ssyncset.done $0x0  }
0x14: {  	[sflag:s10] =	ssyncadd.s32 $0xFFFFD8F0  }
0x15: {  	[tilespmem:s11], [sflag:$0x2] =	stream.linear.gather [hbm4b:s6+s3], $0x2710, $0x38;
	[tilespmem:$0x1AEA0] =	vst v63  }
0x16: {  	_ =	swait.ge [sflag:s10], $0x2710  }
0x17: {  	[sflag:s10] =	ssyncset.done $0x0  }
0x18: {  	[sflag:s10] =	ssyncadd.s32 $0xFFFFD8F0  }
0x19: {  	[spmem:s13], [sflag:s12] =	dma.local [hbm:s7], $0x2710  }
0x1a: {  	_ =	swait.ge [sflag:s10], $0x2710  }
0x1b: {  	[sflag:s10] =	ssyncset.done $0x0  }
0x1c: {  	[sflag:s10] =	ssyncadd.s32 $0xFFFFD8F0  }
0x1d: {  	s18 =	simm.s32 $0x0;
	[bflag:$0x0] =	sbarrier.arrive $0xFFFF  }
0x1e: {  	[tilespmem:s15], [sflag:$0x1] =	stream.indirect.gather [hbm4b:s4+s14], $0x80, s18, s14, $0xb8;
	[tilespmem:$0x1AEA0] =	vst v63  }
0x1f: {  	_ =	swait.ge [sflag:s16], $0x2800  }
0x20: {  	[sflag:s16] =	ssyncset.done $0x0  }
0x21: {  	s31 =	simm.s32 $0x2710;
	[sflag:s16] =	ssyncadd.s32 $0xFFFFD800  }
0x22: {  	[spmem:s2] =	stream.indirect.scatter.add.f32 [tilespmem:s15], [sflag:$0x2], $0x80, s31, s14, $0xb8;
	[tilespmem:$0x1AEA0] =	vst v63  }
0x23: {  	_ =	swait.ge [sflag:s10], $0x2800  }
0x24: {  	s19 =	simm.s32 $0x280;
	s18 =	simm.s32 $0x140;
	[sflag:s10] =	ssyncset.done $0x0  }
.LBB2_2:
0x25: {  	s20 =	sshra.s32 s18, $0x2  }
0x26: {  	[sflag:s10] =	ssyncadd.s32 $0xFFFFD800;
	s18 =	smov.u32 s19;
	s21 =	sadd.s32 $0x140, s19  }
0x27: {  	[tilespmem:s15], [sflag:$0x1] =	stream.indirect.gather [hbm4b:s4+s14], $0x80, s20, s14, $0xb8;
	[tilespmem:$0x1AEA0] =	vst v63  }
0x28: {  	p0 =	sne.s32 s19, $0x9B00;
	_ =	swait.ge [sflag:s16], $0x2800  }
.Ltmp0:
0x29: {  	[sflag:s16] =	ssyncset.done $0x0;
	(pc) =	sbr.rel @p0 .LBB2_2-.Ltmp0, $4  }
0x2a: {  	s19 =	sadd.s32 $0x2710, s20;
	[sflag:s16] =	ssyncadd.s32 $0xFFFFD800  }
0x2b: {  	[spmem:s2] =	stream.indirect.scatter.add.f32 [tilespmem:s15], [sflag:$0x2], $0x80, s19, s14, $0xb8;
	[tilespmem:$0x1AEA0] =	vst v63  }
0x2c: {  	_ =	swait.ge [sflag:s10], $0x2800  }
0x2d: {  	s19 =	smov.u32 s21;
	[sflag:s10] =	ssyncset.done $0x0  }
0x2e: {  	s18 =	sshra.s32 s18, $0x2;
	[sflag:s10] =	ssyncadd.s32 $0xFFFFD800  }
0x2f: {  	[tilespmem:s15], [sflag:$0x1] =	stream.indirect.gather [hbm4b:s4+s14], $0x80, s18, s14, $0xb8;
	[tilespmem:$0x1AEA0] =	vst v63  }
0x30: {  	_ =	swait.ge [sflag:s16], $0x2800  }
0x31: {  	[sflag:s16] =	ssyncset.done $0x0  }
0x32: {  	s18 =	sadd.s32 $0x2710, s18;
	[sflag:s16] =	ssyncadd.s32 $0xFFFFD800  }
0x33: {  	[spmem:s2] =	stream.indirect.scatter.add.f32 [tilespmem:s15], [sflag:$0x2], $0x80, s18, s14, $0xb8;
	[tilespmem:$0x1AEA0] =	vst v63  }
0x34: {  	_ =	swait.ge [sflag:s10], $0x2800  }
0x35: {  	s17 =	sadd.s32 $0x1, s17;
	[sflag:s10] =	ssyncset.done $0x0  }
0x36: {  	p0 =	sne.s32 s17, s9;
	[sflag:s10] =	ssyncadd.s32 $0xFFFFD800  }
.Ltmp1:
0x37: {  	[bflag:$0x0] =	sbarrier.arrive $0xFFFF;
	(pc) =	sbr.rel @p0 .LBB2_1-.Ltmp1, $4  }
0x38: {  	[hbm:s8], [sflag:s12] =	dma.local [spmem:s13], $0x2710  }
0x39: {  	_ =	swait.ge [sflag:s10], $0x2710  }
0x3a: {  	[sflag:s10] =	ssyncset.done $0x0  }
0x3b: {  	[sflag:s10] =	ssyncadd.s32 $0xFFFFD8F0  }
0x3c: {  	_ =	sfence.sel $0x180000  }
0x3d: {  	[bflag:$0x0] =	sbarrier.arrive $0xFFFF  }
0x3e: {  	p0 =	sne.s32 s0, $0x0;
	_ =	strace $0x9000004D  }
0x3f: {  	s0 =	sadd.s32 @!p0 $0x100000, s1;
	[bflag:$0x2] =	sbarrier.arrive $0xFFFF  }
0x40: {  	[sflag:s0] =	ssyncadd.tile.s32 @!p0 $0x1;
	_ =	shalt  }
.Lfunc_end2:
_tile_overlayer_lowered:
.L_overlay_start_2:
0x41: {  	(tag) =	ssettag $0x2  }
0x42: {  	s0 =	rddreg [dreg:$0x0];
	s2 =	stileid.u32  }
0x43: {  	s1 =	rddreg [dreg:$0x1];
	p0 =	sne.s32 s2, $0x0  }
0x44: {  	s3 =	rddreg [dreg:$0x2];
	[bflag:$0x3] =	sbarrier.arrive $0xFFFF;
	s2 =	simm.s32 @!p0 $0x1C02  }
0x45: {  	[timem:s3], [sflag:s2] =	dma.local @!p0 [hbm:s0], s1  }
0x46: {  	s0 =	simm.s32 @!p0 $0x2  }
0x47: {  	_ =	swait.ge @!p0 [sflag:s0], s1  }
0x48: {  	s1 =	ssub.s32 @!p0 $0x0, s1;
	[sflag:s0] =	ssyncset.done @!p0 $0x0  }
0x49: {  	[sflag:s0] =	ssyncadd.s32 @!p0 s1  }
0x4a: {  	[bflag:$0x3] =	sbarrier.arrive $0xFFFF  }
0x4b: {  	_ =	shalt  }

// kernel: kernel.8.cloned.1.call-start
scs
__scs_entry_jumppad:
0x0: {  	(pc) =	sbr.rel $0x88, $3  }
0x1: {  	(tag) =	ssettag $0x0;
	lr =	simm.s32 $0x1  }
0x2: {  	[smem:$0x3F95] =	sst lr;
	_ =	strace $0xD0000000  }
0x3: {  	_ = 	snop  }
0x4: {  	_ = 	snop  }
0x5: {  	_ = 	snop  }
0x6: {  	_ = 	snop  }
0x7: {  	_ = 	snop  }
__scs_overlays_trampoline_lowered:
0x8: {  	[smem:$0x3FA4] =	sst s0  }
0x9: {  	[smem:$0x3FA5] =	sst s1  }
0xa: {  	[smem:$0x3FA6] =	sst s2  }
0xb: {  	[smem:$0x3FA7] =	sst s3  }
0xc: {  	[smem:$0x3FA8] =	sst s4  }
0xd: {  	[smem:$0x3FA9] =	sst s5  }
0xe: {  	[smem:$0x3FAA] =	sst s6  }
0xf: {  	[smem:$0x3FAB] =	sst s7  }
0x10: {  	[smem:$0x3FAC] =	sst s8  }
0x11: {  	[smem:$0x3FAD] =	sst s9;
	s0 =	simm.s32 @!p0 $0x0  }
0x12: {  	s1 =	sld [smem:$0x3F93];
	s0 =	simm.s32 @p0 $0x1  }
0x13: {  	[smem:$0x3FAE] =	sst s0;
	s0 =	simm.s32 @!p1 $0x0  }
0x14: {  	s2 =	sld [smem:$0x3F92];
	s0 =	simm.s32 @p1 $0x1  }
0x15: {  	[smem:$0x3FAF] =	sst s0;
	s0 =	simm.s32 @!p2 $0x0  }
0x16: {  	s3 =	sld [smem:$0x3FDB];
	s0 =	simm.s32 @p2 $0x1  }
0x17: {  	s4 =	simm.s32 $0x1BF5;
	[smem:$0x3FB1] =	sst s0  }
0x18: {  	s0 =	sld [smem:$0x3F94];
	_ =	swait.ge [sflag:s4], $0x0  }
0x19: {  	s7 =	sld [smem:$0x3F95]  }
0x1a: {  	s8 =	sadd.s32 $0xFFFFE003, lr  }
0x1b: {  	s9 =	sadd.s32 $0xFFFFFEF7, lr;
	s5 =	simm.s32 $0xFFFFFFFF;
	p2 =	slt.u32 s8, $0xFFFFF086  }
0x1c: {  	p1 =	slt.u32 s9, $0xF7A;
	s5 =	simm.s32 @!p2 $0x0  }
0x1d: {  	s5 =	simm.s32 @p1 $0x1;
	p0 =	seq.s32 s7, s2  }
0x1e: {  	s7 =	smul.u32 @!p0 $0xF7A, s2;
	p2 =	seq.s32 @!p0 s5, $0x0  }
0x1f: {  	s9 =	smul.u32 $0xF7A, s1;
	s8 =	simm.s32 @!p0 $0x1BF5;
	p2 =	por !p2, p0  }
0x20: {  	[sflag:s8] =	ssyncset.s32 @!p0 $0xFFFFF086;
	s6 =	sadd.s32 @!p0 s3, s7;
	s7 =	simm.s32 @!p0 $0x108  }
0x21: {  	s3 =	sadd.s32 s3, s9;
	s6 =	sadd.s32 @!p0 $0x88, s6;
	s7 =	simm.s32 @p2 $0x1082  }
0x22: {  	[simem:s7], [sflag:s8] =	dma.local @!p0 [hbm:s6], $0xF7A  }
0x23: {  	s9 =	sor.u32 $0xD0000000, s2;
	s6 =	simm.s32 $0x108;
	_ =	swait.ge @!p0 [sflag:s8], $0x0  }
0x24: {  	s3 =	sadd.s32 $0x88, s3;
	s6 =	simm.s32 @!p1 $0x1082;
	[sflag:s4] =	ssyncset.s32 $0xFFFFF086  }
0x25: {  	[simem:s6], [sflag:s4] =	dma.local [hbm:s3], $0xF7A  }
0x26: {  	[smem:$0x3F95] =	sst s1;
	(tag) =	ssettag s2;
	_ =	strace s9  }
0x27: {  	s1 =	sld [smem:$0x3FA5]  }
0x28: {  	s2 =	sld [smem:$0x3FA6]  }
0x29: {  	s4 =	sld [smem:$0x3FA8]  }
0x2a: {  	p0 =	seq.s32 s5, $0x0;
	s5 =	sld [smem:$0x3FA9]  }
0x2b: {  	s6 =	sld [smem:$0x3FAA]  }
0x2c: {  	s7 =	sld [smem:$0x3FAB]  }
0x2d: {  	s3 =	simm.s32 $0x108;
	s8 =	sld [smem:$0x3FAC]  }
0x2e: {  	s3 =	simm.s32 @!p0 $0x1082;
	s9 =	sld [smem:$0x3FAD]  }
0x2f: {  	lr =	sadd.s32 s0, s3;
	s0 =	sld [smem:$0x3FA4]  }
0x30: {  	s3 =	sld [smem:$0x3FA7]  }
0x31: {  	[smem:$0x3FB0] =	sst s10  }
0x32: {  	s10 =	sld [smem:$0x3FAE];
	_ =	sdelay $0x3  }
0x33: {  	p0 =	seq.s32 s10, $0x1;
	s10 =	sld [smem:$0x3FB0];
	_ =	sdelay $0x3  }
0x34: {  	[smem:$0x3FB0] =	sst s10  }
0x35: {  	s10 =	sld [smem:$0x3FAF];
	_ =	sdelay $0x3  }
0x36: {  	p1 =	seq.s32 s10, $0x1;
	s10 =	sld [smem:$0x3FB0];
	_ =	sdelay $0x3  }
0x37: {  	[smem:$0x3FB0] =	sst s10  }
0x38: {  	s10 =	sld [smem:$0x3FB1]  }
0x39: {  	_ = 	snop;
	(pc) =	sbr.ind lr, $3  }
0x3a: {  	_ = 	snop  }
0x3b: {  	_ = 	snop  }
0x3c: {  	p2 =	seq.s32 s10, $0x1;
	s10 =	sld [smem:$0x3FB0]  }
0x3d: {  	_ =	shalt  }
0x3e: {  	_ =	shalt  }
0x3f: {  	_ =	shalt  }
0x40: {  	_ =	shalt  }
0x41: {  	_ =	shalt  }
0x42: {  	_ =	shalt  }
0x43: {  	_ =	shalt  }
0x44: {  	_ =	shalt  }
0x45: {  	_ =	shalt  }
0x46: {  	_ =	shalt  }
0x47: {  	_ =	shalt  }
0x48: {  	_ =	shalt  }
0x49: {  	_ =	shalt  }
0x4a: {  	_ =	shalt  }
0x4b: {  	_ =	shalt  }
0x4c: {  	_ =	shalt  }
0x4d: {  	_ =	shalt  }
0x4e: {  	_ =	shalt  }
0x4f: {  	_ =	shalt  }
0x50: {  	_ =	shalt  }
0x51: {  	_ =	shalt  }
0x52: {  	_ =	shalt  }
0x53: {  	_ =	shalt  }
0x54: {  	_ =	shalt  }
0x55: {  	_ =	shalt  }
0x56: {  	_ =	shalt  }
0x57: {  	_ =	shalt  }
0x58: {  	_ =	shalt  }
0x59: {  	_ =	shalt  }
0x5a: {  	_ =	shalt  }
0x5b: {  	_ =	shalt  }
0x5c: {  	_ =	shalt  }
0x5d: {  	_ =	shalt  }
0x5e: {  	_ =	shalt  }
0x5f: {  	_ =	shalt  }
0x60: {  	_ =	shalt  }
0x61: {  	_ =	shalt  }
0x62: {  	_ =	shalt  }
0x63: {  	_ =	shalt  }
0x64: {  	_ =	shalt  }
0x65: {  	_ =	shalt  }
0x66: {  	_ =	shalt  }
0x67: {  	_ =	shalt  }
0x68: {  	_ =	shalt  }
0x69: {  	_ =	shalt  }
0x6a: {  	_ =	shalt  }
0x6b: {  	_ =	shalt  }
0x6c: {  	_ =	shalt  }
0x6d: {  	_ =	shalt  }
0x6e: {  	_ =	shalt  }
0x6f: {  	_ =	shalt  }
0x70: {  	_ =	shalt  }
0x71: {  	_ =	shalt  }
0x72: {  	_ =	shalt  }
0x73: {  	_ =	shalt  }
0x74: {  	_ =	shalt  }
0x75: {  	_ =	shalt  }
0x76: {  	_ =	shalt  }
0x77: {  	_ =	shalt  }
0x78: {  	_ =	shalt  }
0x79: {  	_ =	shalt  }
0x7a: {  	_ =	shalt  }
0x7b: {  	_ =	shalt  }
0x7c: {  	_ =	shalt  }
0x7d: {  	_ =	shalt  }
0x7e: {  	_ =	shalt  }
0x7f: {  	_ =	shalt  }
0x80: {  	_ =	shalt  }
0x81: {  	_ =	shalt  }
0x82: {  	_ =	shalt  }
0x83: {  	_ =	shalt  }
0x84: {  	_ =	shalt  }
0x85: {  	_ =	shalt  }
0x86: {  	_ =	shalt  }
0x87: {  	_ =	shalt  }
.Lfunc_end0:
.L_simem_size_0:
called_computation_lowered:
.L_overlay_start_0:
0x88: {  	s2 =	sld [smem:$0x3FD9]  }
0x89: {  	s3 =	sld [smem:$0x3FFE];
	_ =	sdelay $0x1  }
0x8a: {  	s1 =	srdreg.scid  }
0x8b: {  	s0 =	sand.u32 $0x1, s1  }
0x8c: {  	s17 =	sshll.u32 s0, $0xA;
	s2 =	sadd.s32 s3, s2  }
0x8d: {  	s2 =	sadd.s32 s2, s17  }
0x8e: {  	[smem:$0x3FBC] =	sst s2  }
0x8f: {  	_ = 	snop  }
0x90: {  	s2 =	sld [smem:$0x3FD0];
	(tm) =	ssettm $0x1  }
0x91: {  	s18 =	sld [smem:$0x3FFB];
	_ =	sdelay $0x3  }
0x92: {  	_ =	strace s18  }
0x93: {  	s3 =	sld [smem:$0x3FFC];
	_ =	sdelay $0x3  }
0x94: {  	_ =	strace s3  }
0x95: {  	s3 =	sld [smem:$0x3FFD];
	_ =	sdelay $0x3  }
0x96: {  	_ =	strace s3  }
0x97: {  	_ =	strace $0x8FFFFFFF  }
0x98: {  	s19 =	sld [smem:$0x3FDB];
	_ =	sdelay $0x1  }
0x99: {  	s4 =	simm.s32 $_scs_section_size  }
0x9a: {  	s5 =	simm.s32 $_size__tile_overlayer_lowered;
	s6 =	simm.s32 $_tile_overlayer_lowered  }
0x9b: {  	s22 =	simm.s32 $0x1BFF;
	s21 =	sshll.u32 s6, $0x1;
	s3 =	sadd.s32 s4, s19  }
0x9c: {  	s7 =	simm.s32 $0x0;
	s20 =	sshll.u32 s5, $0x1;
	s5 =	sadd.s32 s21, s3  }
0x9d: {  	[timem:s7], [sflag:s22] =	dma.local [hbm:s5], s20  }
0x9e: {  	_ =	swait.ge [sflag:s22], s20  }
0x9f: {  	s4 =	ssub.s32 $0x0, s20;
	[sflag:s22] =	ssyncset.done $0x0  }
0xa0: {  	[sflag:s22] =	ssyncadd.s32 s4;
	_ =	sdelay $0x1  }
0xa1: {  	s23 =	simm.s32 $0x1B8B  }
0xa2: {  	_ =	swait.ge [sflag:s23], $0x1  }
0xa3: {  	[sflag:s23] =	ssyncset.done $0x0  }
0xa4: {  	s25 =	simm.s32 $0x1B8E;
	s24 =	sld [smem:$0x3FFE];
	[sflag:s23] =	ssyncadd.s32 $0xFFFFFFFF  }
0xa5: {  	s26 =	simm.s32 $execute0_lowered;
	[smem:$0x3FD2] =	sst s25  }
0xa6: {  	s5 =	sshll.u32 s26, $0x1;
	_ =	strace $0x80000046;
	[dreg:$0x1] =	wrdreg $0xFFFFFFFF  }
0xa7: {  	s28 =	simm.s32 $_size_execute0_lowered;
	s3 =	sadd.s32 s3, s5;
	[dreg:$0x0] =	wrdreg $0x0  }
0xa8: {  	s5 =	sshll.u32 s28, $0x1;
	[dreg:$0x2] =	wrdreg s3  }
0xa9: {  	[dreg:$0x3] =	wrdreg s5  }
0xaa: {  	[dreg:$0x4] =	wrdreg $0xC0  }
0xab: {  	_ =	task [dreg:s7], $0x5FFFF  }
0xac: {  	[dreg:$0x1] =	wrdreg $0xFFFFFFFF  }
0xad: {  	[dreg:$0x0] =	wrdreg $0x60  }
0xae: {  	[dreg:$0x2] =	wrdreg s2  }
0xaf: {  	[dreg:$0x3] =	wrdreg s24  }
0xb0: {  	[dreg:$0x4] =	wrdreg $0x2C100  }
0xb1: {  	[dreg:$0x5] =	wrdreg $0x9  }
0xb2: {  	_ =	task.clear_ibuf [dreg:s7], $0x6FFFF;
	_ =	strace $0x90000046  }
0xb3: {  	s29 =	simm.s32 $0x9;
	_ =	strace $0x80000048  }
0xb4: {  	_ =	swait.ge [sflag:s29], $0x1  }
0xb5: {  	[sflag:s29] =	ssyncadd.s32 $0xFFFFFFFF  }
0xb6: {  	_ =	strace $0x90000048  }
0xb7: {  	_ =	sfence  }
0xb8: {  	s30 =	sld [smem:$0x0];
	_ =	sdelay $0x2  }
0xb9: {  	s31 =	sshll.u32 s1, $0xD;
	s1 =	sshrl.u32 s1, $0x2  }
0xba: {  	s3 =	sand.u32 $0x4000, s31;
	s1 =	sadd.s32 s1, s30  }
0xbb: {  	s0 =	sor.u32 s3, s0;
	s1 =	sshll.u32 s1, $0x11  }
0xbc: {  	s0 =	sor.u32 s1, s0  }
0xbd: {  	s0 =	sadd.s32 $0x8F2B, s0  }
0xbe: {  	[sflag:s0] =	ssyncadd.remote.s32 $0x1  }
0xbf: {  	_ =	sfence.sel $0xFFFF  }
0xc0: {  	[dreg:$0x0] =	wrdreg $0xFFFFFFFF;
	(pc) =	sbr.abs _section_cstart, $3  }
0xc1: {  	[dreg:$0x1] =	wrdreg $0xFFFFFFFF  }
0xc2: {  	_ =	task.clear_ibuf [dreg:s7], $0x2FFFF;
	_ =	strace $0x9FFFFFFF  }
0xc3: {  	(tm) =	ssettm $0x7FFFFFFF  }
tec
execute0_lowered:
.L_overlay_start_1:
0x0: {  	(tag) =	ssettag $0x1  }
0x1: {  	s5 =	rddreg [dreg:$0x0]  }
0x2: {  	s6 =	rddreg [dreg:$0x1]  }
0x3: {  	s2 =	rddreg [dreg:$0x2]  }
0x4: {  	s0 =	rddreg [dreg:$0x3]  }
0x5: {  	s1 =	stileid.u32;
	s4 =	srdreg.scid  }
0x6: {  	s3 =	simm.s32 $0x0;
	s14 =	simm.s32 $0x0;
	s7 =	smul.u32 $0x2710, s1  }
0x7: {  	s4 =	sand.u32 $0x1, s4;
	[smem:$0x7FF] =	sst s3;
	s31 =	sshll.u32 s1, $0x6  }
0x8: {  	s8 =	smul.u32 $0x27100, s4;
	_ =	strace $0x80000047;
	s10 =	ssub.s32 $0x2, s4  }
0x9: {  	s4 =	sadd.s32 $0x12400, s6;
	s9 =	sshrl.u32 s7, $0x3;
	s11 =	sshrl.u32 s10, $0x1  }
0xa: {  	s13 =	sadd.s32 s7, s2;
	s8 =	sadd.s32 s7, s8;
	s9 =	sadd.s32 s9, s6  }
0xb: {  	s10 =	ssub.s32 s10, s11;
	s11 =	sor.u32 $0x1C01, s31;
	s8 =	sshrl.u32 s8, $0x3  }
0xc: {  	s12 =	sadd.s32 s8, s6;
	s5 =	sadd.s32 s5, s8;
	s6 =	sadd.s32 $0xD400, s9  }
0xd: {  	s8 =	smax.u32 s10, $0x1;
	s9 =	simm.s32 $0x1;
	s10 =	simm.s32 $0x2710  }
0xe: {  	s7 =	sadd.s32 $0x12600, s12;
	s12 =	sshrl.u32 s13, $0x3;
	s13 =	simm.s32 $0x50  }
.LBB2_1:
0xf: {  	[tilespmem:s3], [sflag:$0x1] =	stream.linear.gather [hbm4b:s5+s3], $0x2710, $0x38;
	[tilespmem:$0x5320] =	vst v63  }
0x10: {  	_ =	swait.ge [sflag:s9], $0x2710  }
0x11: {  	[sflag:s9] =	ssyncset.done $0x0  }
0x12: {  	[sflag:s9] =	ssyncadd.s32 $0xFFFFD8F0  }
0x13: {  	[tilespmem:s10], [sflag:$0x1] =	stream.linear.gather [hbm4b:s4+s3], $0x500, $0x38;
	[tilespmem:$0x5320] =	vst v63  }
0x14: {  	_ =	swait.ge [sflag:s9], $0x500  }
0x15: {  	[sflag:s9] =	ssyncset.done $0x0  }
0x16: {  	[sflag:s9] =	ssyncadd.s32 $0xFFFFFB00  }
0x17: {  	[spmem:s12], [sflag:s11] =	dma.local [hbm:s6], $0x4E2  }
0x18: {  	_ =	swait.ge [sflag:s9], $0x4E2  }
0x19: {  	[sflag:s9] =	ssyncset.done $0x0  }
0x1a: {  	[sflag:s9] =	ssyncadd.s32 $0xFFFFFB1E  }
0x1b: {  	s15 =	simm.s32 $0x0;
	[bflag:$0x0] =	sbarrier.arrive $0xFFFF  }
0x1c: {  	[spmem:s2] =	stream.indirect.scatter.add.f32 [tilespmem:s10], [sflag:$0x1], $0x10, s15, s13, $0xb8;
	[tilespmem:$0x5320] =	vst v63  }
0x1d: {  	_ =	swait.ge [sflag:s9], $0x500  }
0x1e: {  	s15 =	simm.s32 $0x140;
	[sflag:s9] =	ssyncset.done $0x0  }
.LBB2_2:
0x1f: {  	s16 =	sshra.s32 s15, $0x2;
	[sflag:s9] =	ssyncadd.s32 $0xFFFFFB00;
	p0 =	sne.s32 s15, $0x9B00  }
0x20: {  	[spmem:s2] =	stream.indirect.scatter.add.f32 [tilespmem:s10], [sflag:$0x1], $0x10, s16, s13, $0xb8;
	[tilespmem:$0x5320] =	vst v63  }
.Ltmp0:
0x21: {  	_ = 	snop;
	(pc) =	sbr.rel @p0 .LBB2_2-.Ltmp0, $4  }
0x22: {  	_ = 	snop  }
0x23: {  	s15 =	sadd.s32 $0x140, s15  }
0x24: {  	_ =	swait.ge [sflag:s9], $0x500  }
0x25: {  	[sflag:s9] =	ssyncset.done $0x0  }
0x26: {  	s14 =	sadd.s32 $0x1, s14  }
0x27: {  	[sflag:s9] =	ssyncadd.s32 $0xFFFFFB00;
	p0 =	sne.s32 s14, s8  }
.Ltmp1:
0x28: {  	[bflag:$0x0] =	sbarrier.arrive $0xFFFF;
	(pc) =	sbr.rel @p0 .LBB2_1-.Ltmp1, $4  }
0x29: {  	[hbm:s7], [sflag:s11] =	dma.local [spmem:s12], $0x4E2  }
0x2a: {  	_ =	swait.ge [sflag:s9], $0x4E2  }
0x2b: {  	[sflag:s9] =	ssyncset.done $0x0  }
0x2c: {  	[sflag:s9] =	ssyncadd.s32 $0xFFFFFB1E  }
0x2d: {  	_ =	sfence.sel $0x180000  }
0x2e: {  	[bflag:$0x0] =	sbarrier.arrive $0xFFFF  }
0x2f: {  	p0 =	sne.s32 s1, $0x0;
	_ =	strace $0x90000047  }
0x30: {  	s0 =	sadd.s32 @!p0 $0x100000, s0;
	[bflag:$0x2] =	sbarrier.arrive $0xFFFF  }
0x31: {  	[sflag:s0] =	ssyncadd.tile.s32 @!p0 $0x1;
	_ =	shalt  }
.Lfunc_end2:
_tile_overlayer_lowered:
.L_overlay_start_2:
0x32: {  	(tag) =	ssettag $0x2  }
0x33: {  	s0 =	rddreg [dreg:$0x0];
	s2 =	stileid.u32  }
0x34: {  	s1 =	rddreg [dreg:$0x1];
	p0 =	sne.s32 s2, $0x0  }
0x35: {  	s3 =	rddreg [dreg:$0x2];
	[bflag:$0x3] =	sbarrier.arrive $0xFFFF;
	s2 =	simm.s32 @!p0 $0x1C01  }
0x36: {  	[timem:s3], [sflag:s2] =	dma.local @!p0 [hbm:s0], s1  }
0x37: {  	s0 =	simm.s32 @!p0 $0x1  }
0x38: {  	_ =	swait.ge @!p0 [sflag:s0], s1  }
0x39: {  	s1 =	ssub.s32 @!p0 $0x0, s1;
	[sflag:s0] =	ssyncset.done @!p0 $0x0  }
0x3a: {  	[sflag:s0] =	ssyncadd.s32 @!p0 s1  }
0x3b: {  	[bflag:$0x3] =	sbarrier.arrive $0xFFFF  }
0x3c: {  	_ =	shalt  }

</sc_bundles>
